<compile_context>
chip_gen: v7x
topology: tpu7x:2x2x1
jax: 0.10.2.dev20260603
libtpu: 0.0.44.dev20260713+nightly
codegen_flags: <defaults>
</compile_context>

<pallas_src>
import functools

import jax
import jax.numpy as jnp
from jax import lax
from jax.experimental import pallas as pl
from jax.experimental.pallas import tpu as pltpu
from jax.experimental.pallas import tpu_sc as plsc

B, N, K, H = 4, 1024, 36, 128
TN = 128
NW = 32
SPLIT_SIZES = (2, 2)
CHUNK = 128


def _gelu(x):
    return x * (0.5 + 0.5 * lax.erf(x * 0.7071067811865476))


def _ln(x, g, b):
    m = jnp.mean(x, axis=-1, keepdims=True)
    v = jnp.mean((x - m) ** 2, axis=-1, keepdims=True)
    return (x - m) * lax.rsqrt(v + 1e-5) * g + b


def _proj_body(hv_ref, w_ref, p_ref):
    p_ref[...] = jnp.dot(hv_ref[...], w_ref[...],
                         preferred_element_type=jnp.float32)


def _project(h_V_flat, W1c):
    return pl.pallas_call(
        _proj_body,
        out_shape=jax.ShapeDtypeStruct((B * N, H), jnp.float32),
    )(h_V_flat, W1c)


def _gather(P_flat, idx_resh, base_b, bs):
    epw = bs * N * K // NW
    nchunk = epw // CHUNK
    wpb = NW // bs
    mesh = plsc.VectorSubcoreMesh(core_axis_name="c", subcore_axis_name="s")

    @functools.partial(
        pl.kernel, mesh=mesh,
        out_type=jax.ShapeDtypeStruct((bs * K * N, H), jnp.float32),
        scratch_types=[
            pltpu.VMEM((nchunk, CHUNK), jnp.int32),
            pltpu.VMEM((CHUNK, H), jnp.float32),
            pltpu.VMEM((CHUNK, H), jnp.float32),
            pltpu.SemaphoreType.DMA,
            pltpu.SemaphoreType.DMA,
        ],
    )
    def gk(p_hbm, idx_hbm, out_hbm, idx_v, rows0, rows1, sem0, sem1):
        wid = lax.axis_index("s") * 2 + lax.axis_index("c")
        base = wid * epw
        boff = (base_b + wid // wpb) * N
        pltpu.sync_copy(idx_hbm.at[wid], idx_v)

        def add_off(i, _):
            def add16(j, _):
                sl = (i, pl.ds(j * 16, 16))
                idx_v[sl] = idx_v[sl] + boff
                return 0
            return lax.fori_loop(0, CHUNK // 16, add16, 0)
        lax.fori_loop(0, nchunk, add_off, 0)

        pltpu.async_copy(p_hbm.at[idx_v.at[0]], rows0, sem0)

        def chunk(c, _):
            even = c % 2 == 0
            @pl.when(jnp.logical_and(even, c + 1 < nchunk))
            def _():
                pltpu.make_async_copy(p_hbm.at[idx_v.at[c + 1]], rows1,
                                      sem1).start()
            @pl.when(jnp.logical_and(jnp.logical_not(even), c + 1 < nchunk))
            def _():
                pltpu.make_async_copy(p_hbm.at[idx_v.at[c + 1]], rows0,
                                      sem0).start()
            @pl.when(even)
            def _():
                pltpu.make_async_copy(p_hbm.at[idx_v.at[c]], rows0,
                                      sem0).wait()
                pltpu.sync_copy(rows0,
                                out_hbm.at[pl.ds(base + c * CHUNK, CHUNK)])
            @pl.when(jnp.logical_not(even))
            def _():
                pltpu.make_async_copy(p_hbm.at[idx_v.at[c]], rows1,
                                      sem1).wait()
                pltpu.sync_copy(rows1,
                                out_hbm.at[pl.ds(base + c * CHUNK, CHUNK)])
            return 0
        lax.fori_loop(0, nchunk, chunk, 0)

    return gk(P_flat, idx_resh)


def kernel(h_V, h_E, E_idx, mask_V, mask_attend, W1, b1, W2, b2, W3, b3,
           Win, bi, Wout, bo, g1, be1, g2, be2):
    bf = jnp.bfloat16
    W1a, W1b, W1c = W1[:H], W1[H:2 * H], W1[2 * H:]

    hEt = jnp.transpose(h_E, (0, 2, 1, 3))
    Eit = jnp.transpose(E_idx, (0, 2, 1))
    Eif = Eit.reshape(B, K * N)
    mat = jnp.transpose(mask_attend, (0, 2, 1))
    maf2 = (mat.reshape(B, K, N // TN, TN).transpose(0, 2, 1, 3)
            .reshape(B, N // TN, 1, K * TN).astype(bf))

    jcol = jnp.arange(K * TN, dtype=jnp.int32) % TN
    A2 = (jnp.arange(TN, dtype=jnp.int32)[:, None]
          == jcol[None, :]).astype(bf)
    R2 = A2.T

    P = _project(h_V.reshape(B * N, H), W1c)

    def body(hv_ref, he_ref, g_ref, ma_ref, maf_ref, mv_ref, a_ref, r_ref,
             w1a_ref, b1_ref, w1b_ref, w2_ref, b2_ref, w3_ref, b3_ref,
             win_ref, bi_ref, wout_ref, bo_ref,
             g1_ref, be1_ref, g2_ref, be2_ref, out_ref):
        hv = hv_ref[0]
        he = he_ref[0].reshape(K * TN, H).astype(bf)
        gg = g_ref[...].reshape(K * TN, H)
        ma = ma_ref[0]
        maf = maf_ref[0, 0]

        q = jnp.dot(hv, w1a_ref[...],
                    preferred_element_type=jnp.float32) + b1_ref[...]
        qrep = jnp.dot(r_ref[...], q.astype(bf),
                       preferred_element_type=jnp.float32)
        pre1 = jnp.dot(he, w1b_ref[...],
                       preferred_element_type=jnp.float32) + gg + qrep
        m1 = _gelu(pre1).astype(bf)
        m2 = _gelu(jnp.dot(m1, w2_ref[...],
                           preferred_element_type=jnp.float32) + b2_ref[...])
        am = a_ref[...] * maf
        s = jnp.dot(am, m2.astype(bf),
                    preferred_element_type=jnp.float32)
        cnt = jnp.sum(ma, axis=1, keepdims=True)
        dh = (jnp.dot(s, w3_ref[...], preferred_element_type=jnp.float32)
              + cnt * b3_ref[...]) * (1.0 / 36.0)
        x = _ln(hv + dh, g1_ref[...], be1_ref[...])
        ffn = jnp.dot(_gelu(jnp.dot(x.astype(bf), win_ref[...],
                                    preferred_element_type=jnp.float32)
                            + bi_ref[...]).astype(bf),
                      wout_ref[...],
                      preferred_element_type=jnp.float32) + bo_ref[...]
        y = _ln(x + ffn, g2_ref[...], be2_ref[...])
        out_ref[0] = y * mv_ref[0, 0, 0][:, None]

    w_spec2 = lambda shp: pl.BlockSpec(shp, lambda b, t: (0, 0))
    outs = []
    base_b = 0
    for bs in SPLIT_SIZES:
        nchunk = bs * N * K // (NW * CHUNK)
        idx_s = lax.slice_in_dim(Eif, base_b, base_b + bs,
                                 axis=0).reshape(NW, nchunk, CHUNK)
        G = _gather(P, idx_s, base_b, bs).reshape(bs * K, N, H)
        o = base_b
        out_s = pl.pallas_call(
            body,
            grid=(bs, N // TN),
            in_specs=[
                pl.BlockSpec((1, TN, H),
                             lambda b, t, o=o: (o + b, t, 0)),
                pl.BlockSpec((1, K, TN, H),
                             lambda b, t, o=o: (o + b, 0, t, 0)),
                pl.BlockSpec((K, TN, H), lambda b, t: (b, t, 0)),
                pl.BlockSpec((1, TN, K),
                             lambda b, t, o=o: (o + b, t, 0)),
                pl.BlockSpec((1, 1, 1, K * TN),
                             lambda b, t, o=o: (o + b, t, 0, 0)),
                pl.BlockSpec((1, 1, 1, TN),
                             lambda b, t, o=o: (o + b, t, 0, 0)),
                w_spec2((TN, K * TN)),
                w_spec2((K * TN, TN)),
                w_spec2((H, H)),
                w_spec2((1, H)),
                w_spec2((H, H)),
                w_spec2((H, H)),
                w_spec2((1, H)),
                w_spec2((H, H)),
                w_spec2((1, H)),
                w_spec2((H, 4 * H)),
                w_spec2((1, 4 * H)),
                w_spec2((4 * H, H)),
                w_spec2((1, H)),
                w_spec2((1, H)),
                w_spec2((1, H)),
                w_spec2((1, H)),
                w_spec2((1, H)),
            ],
            out_specs=pl.BlockSpec((1, TN, H), lambda b, t: (b, t, 0)),
            out_shape=jax.ShapeDtypeStruct((bs, N, H), jnp.float32),
        )(h_V, hEt, G, mask_attend, maf2,
          mask_V.reshape(B, N // TN, 1, TN),
          A2, R2,
          W1a, b1.reshape(1, H), W1b.astype(bf),
          W2.astype(bf), b2.reshape(1, H), W3,
          b3.reshape(1, H), Win.astype(bf),
          bi.reshape(1, 4 * H), Wout.astype(bf), bo.reshape(1, H),
          g1.reshape(1, H), be1.reshape(1, H), g2.reshape(1, H),
          be2.reshape(1, H))
        outs.append(out_s)
        base_b += bs
    return jnp.concatenate(outs, axis=0)

# --- scband reference (transcript-rebuilt; emitter-appended) ---
"""Pipeline reference for scband-sidechain-25211458027672 (READ-ONLY COPY).

The authoritative reference and input builder live on the scoring server;
editing this copy changes nothing except your own understanding.
"""

import jax, jax.numpy as jnp
import numpy as np

B, N, K, H = 4, 1024, 36, 128


def layer_norm(x, g, b):
    m = jnp.mean(x, axis=-1, keepdims=True)
    v = jnp.var(x, axis=-1, keepdims=True)
    return (x - m) / jnp.sqrt(v + 1e-5) * g + b


def gather_nodes(nodes, neighbor_idx):
    Bn, Nn, Kn = neighbor_idx.shape
    C = nodes.shape[-1]
    flat = neighbor_idx.reshape(Bn, Nn * Kn)
    feats = jnp.take_along_axis(nodes, flat[:, :, None], axis=1)
    return feats.reshape(Bn, Nn, Kn, C)


def setup_inputs(seed: int = 0) -> dict:
    key = jax.random.key(seed)
    ks = jax.random.split(key, 20)
    h_V = jax.random.normal(ks[0], (B, N, H), dtype=jnp.float32)
    h_E = jax.random.normal(ks[1], (B, N, K, H), dtype=jnp.float32)
    E_idx = jax.random.randint(ks[2], (B, N, K), 0, N, dtype=jnp.int32)
    mask_V = jnp.ones((B, N), dtype=jnp.float32)
    mask_attend = jnp.ones((B, N, K), dtype=jnp.float32)
    s = 0.05
    W1 = jax.random.normal(ks[3], (3 * H, H), dtype=jnp.float32) * s
    b1 = jnp.zeros((H,), dtype=jnp.float32)
    W2 = jax.random.normal(ks[4], (H, H), dtype=jnp.float32) * s
    b2 = jnp.zeros((H,), dtype=jnp.float32)
    W3 = jax.random.normal(ks[5], (H, H), dtype=jnp.float32) * s
    b3 = jnp.zeros((H,), dtype=jnp.float32)
    Win = jax.random.normal(ks[6], (H, 4 * H), dtype=jnp.float32) * s
    bi = jnp.zeros((4 * H,), dtype=jnp.float32)
    Wout = jax.random.normal(ks[7], (4 * H, H), dtype=jnp.float32) * s
    bo = jnp.zeros((H,), dtype=jnp.float32)
    g1 = jnp.ones((H,), dtype=jnp.float32)
    be1 = jnp.zeros((H,), dtype=jnp.float32)
    g2 = jnp.ones((H,), dtype=jnp.float32)
    be2 = jnp.zeros((H,), dtype=jnp.float32)
    return {"h_V": h_V, "h_E": h_E, "E_idx": E_idx, "mask_V": mask_V, "mask_attend": mask_attend,
            "W1": W1, "b1": b1, "W2": W2, "b2": b2, "W3": W3, "b3": b3,
            "Win": Win, "bi": bi, "Wout": Wout, "bo": bo,
            "g1": g1, "be1": be1, "g2": g2, "be2": be2}


def reference(h_V, h_E, E_idx, mask_V, mask_attend, W1, b1, W2, b2, W3, b3, Win, bi, Wout, bo, g1, be1, g2, be2):
    act = lambda x: jax.nn.gelu(x, approximate=False)
    # cat_neighbors_nodes: gather neighbor node states and concat with edge features
    h_nodes = gather_nodes(h_V, E_idx)                      # [B,N,K,H]
    h_ESV = jnp.concatenate([h_E, h_nodes], axis=-1)        # [B,N,K,2H]
    h_Vx = jnp.broadcast_to(h_V[:, :, None, :], (B, N, K, H))
    h_EV = jnp.concatenate([h_Vx, h_ESV], axis=-1)          # [B,N,K,3H]
    h_message = act(h_EV @ W1 + b1)
    h_message = act(h_message @ W2 + b2)
    h_message = h_message @ W3 + b3
    h_message = mask_attend[..., None] * h_message
    dh = jnp.sum(h_message, axis=-2) / 36.0
    hV = layer_norm(h_V + dh, g1, be1)
    dh = act(hV @ Win + bi) @ Wout + bo
    hV = layer_norm(hV + dh, g2, be2)
    hV = mask_V[..., None] * hV
    return hV

if __name__ == "__main__":
    import jax
    _d = setup_inputs()
    print(jax.jit(kernel)(*tuple(_d.values())))

</pallas_src>

<mosaic_0001>
#map = affine_map<(d0, d1) -> (0, 0)>
#map1 = affine_map<(d0, d1) -> (0, 0, 0)>
module attributes {stable_mosaic.version = 14 : i64} {
  func.func @gk(%arg0: i32, %arg1: i32, %arg2: memref<4096x128xf32, #tpu.memory_space<hbm>>, %arg3: memref<32x18x128xi32, #tpu.memory_space<hbm>>, %arg4: memref<73728x128xf32, #tpu.memory_space<hbm>>, %arg5: memref<18x128xi32, #tpu.memory_space<vmem>>, %arg6: memref<128x128xf32, #tpu.memory_space<vmem>>, %arg7: memref<128x128xf32, #tpu.memory_space<vmem>>, %arg8: memref<!tpu.dma_semaphore, #tpu.memory_space<semaphore_mem>>, %arg9: memref<!tpu.dma_semaphore, #tpu.memory_space<semaphore_mem>>) attributes {dimension_semantics = [#tpu.dimension_semantics<core_parallel>, #tpu.dimension_semantics<subcore_parallel>], iteration_bounds = array<i64: 2, 16>, scalar_prefetch = 0 : i64, scratch_operands = 5 : i64, tpu.core_type = #tpu.core_type<sc_vector_subcore>, window_params = [{transform_indices = #map}, {transform_indices = #map1}, {transform_indices = #map}]} {
    %mul3A = arith.constant 2 : i32
    %mul3A_0 = arith.muli %arg1, %mul3A : i32
    %add3A = arith.addi %mul3A_0, %arg0 : i32
    %mul3A_1 = arith.constant 2304 : i32
    %mul3A_2 = arith.muli %add3A, %mul3A_1 : i32
    %jit3A = arith.constant 16 : i32
    %div3A = arith.divsi %add3A, %jit3A : i32
    %sign3A = arith.constant 0 : i32
    %sign3A_3 = arith.cmpi sgt, %add3A, %sign3A : i32
    %sign3A_4 = arith.extui %sign3A_3 : i1 to i32
    %sign3A_5 = arith.constant 0 : i32
    %sign3A_6 = arith.cmpi slt, %add3A, %sign3A_5 : i32
    %sign3A_7 = arith.extui %sign3A_6 : i1 to i32
    %sign3A_8 = arith.subi %sign3A_4, %sign3A_7 : i32
    %sign3A_9 = arith.constant 0 : i32
    %sign3A_10 = arith.cmpi sgt, %jit3A, %sign3A_9 : i32
    %sign3A_11 = arith.extui %sign3A_10 : i1 to i32
    %sign3A_12 = arith.constant 0 : i32
    %sign3A_13 = arith.cmpi slt, %jit3A, %sign3A_12 : i32
    %sign3A_14 = arith.extui %sign3A_13 : i1 to i32
    %sign3A_15 = arith.subi %sign3A_11, %sign3A_14 : i32
    %ne3A = arith.cmpi ne, %sign3A_8, %sign3A_15 : i32
    %rem3A = arith.remsi %add3A, %jit3A : i32
    %ne3A_16 = arith.constant 0 : i32
    %ne3A_17 = arith.cmpi ne, %rem3A, %ne3A_16 : i32
    %and3A = arith.andi %ne3A, %ne3A_17 : i1
    %sub3A = arith.constant 1 : i32
    %sub3A_18 = arith.subi %div3A, %sub3A : i32
    %select_n3A = arith.select %and3A, %sub3A_18, %div3A : i32
    %add3A_19 = arith.constant 0 : i32
    %add3A_20 = arith.addi %add3A_19, %select_n3A : i32
    %mul3A_21 = arith.constant 1024 : i32
    %mul3A_22 = arith.muli %add3A_20, %mul3A_21 : i32
    "tpu.region"() ({
      %run_scoped3A = tpu.sem_alloc : memref<!tpu.dma_semaphore, #tpu.memory_space<semaphore_mem>>
      %dma_start3A_42 = arith.constant 0 : i32
      %dma_start3A_43 = arith.constant 0 : i32
      %dma_start3A_44 = tpu.memref_slice %arg3[%add3A, %dma_start3A_42, %dma_start3A_43] : memref<32x18x128xi32, #tpu.memory_space<hbm>> -> memref<1x18x128xi32, #tpu.memory_space<hbm>>
      %dma_start3A_45 = tpu.memref_squeeze %dma_start3A_44 : memref<1x18x128xi32, #tpu.memory_space<hbm>> -> memref<18x128xi32, #tpu.memory_space<hbm>>
      %dma_start3A_46 = arith.constant 0 : i32
      %dma_start3A_47 = arith.constant 0 : i32
      %dma_start3A_48 = tpu.memref_slice %arg3[%add3A, %dma_start3A_46, %dma_start3A_47] : memref<32x18x128xi32, #tpu.memory_space<hbm>> -> memref<1x18x128xi32, #tpu.memory_space<hbm>>
      %dma_start3A_49 = tpu.memref_squeeze %dma_start3A_48 : memref<1x18x128xi32, #tpu.memory_space<hbm>> -> memref<18x128xi32, #tpu.memory_space<hbm>>
      tpu.enqueue_dma source(%dma_start3A_49 : memref<18x128xi32, #tpu.memory_space<hbm>>) target(%arg5 : memref<18x128xi32, #tpu.memory_space<vmem>>) target_semaphore(%run_scoped3A : memref<!tpu.dma_semaphore, #tpu.memory_space<semaphore_mem>>)
      %dma_wait3A = arith.constant 0 : i32
      %dma_wait3A_50 = arith.constant 0 : i32
      %dma_wait3A_51 = tpu.memref_slice %arg3[%add3A, %dma_wait3A, %dma_wait3A_50] : memref<32x18x128xi32, #tpu.memory_space<hbm>> -> memref<1x18x128xi32, #tpu.memory_space<hbm>>
      %dma_wait3A_52 = tpu.memref_squeeze %dma_wait3A_51 : memref<1x18x128xi32, #tpu.memory_space<hbm>> -> memref<18x128xi32, #tpu.memory_space<hbm>>
      %dma_wait3A_53 = arith.constant 0 : i32
      %dma_wait3A_54 = arith.constant 0 : i32
      %dma_wait3A_55 = tpu.memref_slice %arg3[%add3A, %dma_wait3A_53, %dma_wait3A_54] : memref<32x18x128xi32, #tpu.memory_space<hbm>> -> memref<1x18x128xi32, #tpu.memory_space<hbm>>
      %dma_wait3A_56 = tpu.memref_squeeze %dma_wait3A_55 : memref<1x18x128xi32, #tpu.memory_space<hbm>> -> memref<18x128xi32, #tpu.memory_space<hbm>>
      tpu.wait_dma2 semaphore(%run_scoped3A : memref<!tpu.dma_semaphore, #tpu.memory_space<semaphore_mem>>) src(%dma_wait3A_56 : memref<18x128xi32, #tpu.memory_space<hbm>>) dst(%arg5 : memref<18x128xi32, #tpu.memory_space<vmem>>)
      tpu.yield
    }) : () -> ()
    %scan3A = arith.constant 0 : i32
    %scan3A_23 = arith.constant 0 : i32
    %scan3A_24 = arith.constant 18 : i32
    %scan3A_25 = arith.addi %scan3A_23, %scan3A_24 : i32
    %scan3A_26 = arith.constant 1 : i32
    %scan3A_27 = scf.for %scan3A_42 = %scan3A_23 to %scan3A_25 step %scan3A_26 iter_args(%scan3A_43 = %scan3A) -> (i32)  : i32 {
      %scan3A_44 = arith.constant 0 : i32
      %scan3A_45 = arith.constant 0 : i32
      %scan3A_46 = arith.constant 8 : i32
      %scan3A_47 = arith.addi %scan3A_45, %scan3A_46 : i32
      %scan3A_48 = arith.constant 1 : i32
      %scan3A_49 = scf.for %scan3A_51 = %scan3A_45 to %scan3A_47 step %scan3A_48 iter_args(%scan3A_52 = %scan3A_44) -> (i32)  : i32 {
        %mul3A_53 = arith.constant 16 : i32
        %mul3A_54 = arith.muli %scan3A_51, %mul3A_53 : i32
        %get3A = arith.index_cast %scan3A_42 : i32 to index
        %get3A_55 = arith.index_cast %mul3A_54 : i32 to index
        %get3A_56 = tpu.vector_load %arg5[%get3A, %get3A_55] {strides = array<i32>} : memref<18x128xi32, #tpu.memory_space<vmem>>, vector<1x16xi32>,
        %get3A_57 = vector.shape_cast %get3A_56 : vector<1x16xi32> to vector<16xi32>
        %add3A_58 = vector.broadcast %mul3A_22 : i32 to vector<16xi32>
        %add3A_59 = arith.addi %get3A_57, %add3A_58 : vector<16xi32>
        %swap3A = arith.index_cast %scan3A_42 : i32 to index
        %swap3A_60 = arith.index_cast %mul3A_54 : i32 to index
        %swap3A_61 = tpu.vector_load %arg5[%swap3A, %swap3A_60] {strides = array<i32>} : memref<18x128xi32, #tpu.memory_space<vmem>>, vector<1x16xi32>,
        %swap3A_62 = vector.shape_cast %swap3A_61 : vector<1x16xi32> to vector<16xi32>
        %swap3A_63 = vector.shape_cast %add3A_59 : vector<16xi32> to vector<1x16xi32>
        tpu.vector_store %arg5[%swap3A, %swap3A_60], %swap3A_63 {strides = array<i32>} : memref<18x128xi32, #tpu.memory_space<vmem>>, vector<1x16xi32>,
        %scan3A_64 = arith.constant 0 : i32
        scf.yield %scan3A_64 : i32
      }
      %scan3A_50 = arith.constant 8 : i32
      scf.yield %scan3A_49 : i32
    }
    %scan3A_28 = arith.constant 18 : i32
    %dma_start3A = arith.constant 0 : i32
    %dma_start3A_29 = arith.constant 0 : i32
    %dma_start3A_30 = tpu.memref_slice %arg5[%dma_start3A, %dma_start3A_29] : memref<18x128xi32, #tpu.memory_space<vmem>> -> memref<1x128xi32, #tpu.memory_space<vmem>>
    %dma_start3A_31 = tpu.memref_squeeze %dma_start3A_30 : memref<1x128xi32, #tpu.memory_space<vmem>> -> memref<128xi32, #tpu.memory_space<vmem>>
    %dma_start3A_32 = arith.constant 0 : i32
    %dma_start3A_33 = arith.constant 0 : i32
    %dma_start3A_34 = tpu.memref_slice %arg2[%dma_start3A_32, %dma_start3A_33] : memref<4096x128xf32, #tpu.memory_space<hbm>> -> memref<4096x128xf32, #tpu.memory_space<hbm>>
    tpu.enqueue_indirect_dma source(%dma_start3A_34 : memref<4096x128xf32, #tpu.memory_space<hbm>>) target(%arg6 : memref<128x128xf32, #tpu.memory_space<vmem>>) offsets(%dma_start3A_31 : memref<128xi32, #tpu.memory_space<vmem>>) semaphore(%arg8 : memref<!tpu.dma_semaphore, #tpu.memory_space<semaphore_mem>>)
    %scan3A_35 = arith.constant 0 : i32
    %scan3A_36 = arith.constant 0 : i32
    %scan3A_37 = arith.constant 18 : i32
    %scan3A_38 = arith.addi %scan3A_36, %scan3A_37 : i32
    %scan3A_39 = arith.constant 1 : i32
    %scan3A_40 = scf.for %scan3A_42 = %scan3A_36 to %scan3A_38 step %scan3A_39 iter_args(%scan3A_43 = %scan3A_35) -> (i32)  : i32 {
      %jit3A_44 = arith.constant 2 : i32
      %eq3A = arith.constant 0 : i32
      %eq3A_45 = arith.cmpi eq, %jit3A_44, %eq3A : i32
      %jit3A_46 = arith.constant 1 : i32
      %select_n3A_47 = arith.select %eq3A_45, %jit3A_46, %jit3A_44 : i32
      %rem3A_48 = arith.remsi %scan3A_42, %select_n3A_47 : i32
      %ne3A_49 = arith.constant 0 : i32
      %ne3A_50 = arith.cmpi ne, %rem3A_48, %ne3A_49 : i32
      %lt3A = arith.constant 0 : i32
      %lt3A_51 = arith.cmpi slt, %rem3A_48, %lt3A : i32
      %lt3A_52 = arith.constant 0 : i32
      %lt3A_53 = arith.cmpi slt, %select_n3A_47, %lt3A_52 : i32
      %ne3A_54 = arith.xori %lt3A_51, %lt3A_53 : i1
      %and3A_55 = arith.andi %ne3A_54, %ne3A_50 : i1
      %add3A_56 = arith.addi %rem3A_48, %select_n3A_47 : i32
      %select_n3A_57 = arith.select %and3A_55, %add3A_56, %rem3A_48 : i32
      %eq3A_58 = arith.constant 0 : i32
      %eq3A_59 = arith.cmpi eq, %select_n3A_57, %eq3A_58 : i32
      %add3A_60 = arith.constant 1 : i32
      %add3A_61 = arith.addi %scan3A_42, %add3A_60 : i32
      %lt3A_62 = arith.constant 18 : i32
      %lt3A_63 = arith.cmpi slt, %add3A_61, %lt3A_62 : i32
      %and3A_64 = arith.andi %eq3A_59, %lt3A_63 : i1
      %convert_element_type3A = arith.extui %and3A_64 : i1 to i32
      %cond3A = arith.constant 0 : i32
      %cond3A_65 = arith.cmpi ne, %convert_element_type3A, %cond3A : i32
      scf.if %cond3A_65 {
        %add3A_84 = arith.constant 1 : i32
        %add3A_85 = arith.addi %scan3A_42, %add3A_84 : i32
        %dma_start3A_86 = arith.constant 0 : i32
        %dma_start3A_87 = tpu.memref_slice %arg5[%add3A_85, %dma_start3A_86] : memref<18x128xi32, #tpu.memory_space<vmem>> -> memref<1x128xi32, #tpu.memory_space<vmem>>
        %dma_start3A_88 = tpu.memref_squeeze %dma_start3A_87 : memref<1x128xi32, #tpu.memory_space<vmem>> -> memref<128xi32, #tpu.memory_space<vmem>>
        %dma_start3A_89 = arith.constant 0 : i32
        %dma_start3A_90 = arith.constant 0 : i32
        %dma_start3A_91 = tpu.memref_slice %arg2[%dma_start3A_89, %dma_start3A_90] : memref<4096x128xf32, #tpu.memory_space<hbm>> -> memref<4096x128xf32, #tpu.memory_space<hbm>>
        tpu.enqueue_indirect_dma source(%dma_start3A_91 : memref<4096x128xf32, #tpu.memory_space<hbm>>) target(%arg7 : memref<128x128xf32, #tpu.memory_space<vmem>>) offsets(%dma_start3A_88 : memref<128xi32, #tpu.memory_space<vmem>>) semaphore(%arg9 : memref<!tpu.dma_semaphore, #tpu.memory_space<semaphore_mem>>)
      } else {
      }
      %not3A = arith.constant true
      %not3A_66 = arith.xori %eq3A_59, %not3A : i1
      %add3A_67 = arith.constant 1 : i32
      %add3A_68 = arith.addi %scan3A_42, %add3A_67 : i32
      %lt3A_69 = arith.constant 18 : i32
      %lt3A_70 = arith.cmpi slt, %add3A_68, %lt3A_69 : i32
      %and3A_71 = arith.andi %not3A_66, %lt3A_70 : i1
      %convert_element_type3A_72 = arith.extui %and3A_71 : i1 to i32
      %cond3A_73 = arith.constant 0 : i32
      %cond3A_74 = arith.cmpi ne, %convert_element_type3A_72, %cond3A_73 : i32
      scf.if %cond3A_74 {
        %add3A_84 = arith.constant 1 : i32
        %add3A_85 = arith.addi %scan3A_42, %add3A_84 : i32
        %dma_start3A_86 = arith.constant 0 : i32
        %dma_start3A_87 = tpu.memref_slice %arg5[%add3A_85, %dma_start3A_86] : memref<18x128xi32, #tpu.memory_space<vmem>> -> memref<1x128xi32, #tpu.memory_space<vmem>>
        %dma_start3A_88 = tpu.memref_squeeze %dma_start3A_87 : memref<1x128xi32, #tpu.memory_space<vmem>> -> memref<128xi32, #tpu.memory_space<vmem>>
        %dma_start3A_89 = arith.constant 0 : i32
        %dma_start3A_90 = arith.constant 0 : i32
        %dma_start3A_91 = tpu.memref_slice %arg2[%dma_start3A_89, %dma_start3A_90] : memref<4096x128xf32, #tpu.memory_space<hbm>> -> memref<4096x128xf32, #tpu.memory_space<hbm>>
        tpu.enqueue_indirect_dma source(%dma_start3A_91 : memref<4096x128xf32, #tpu.memory_space<hbm>>) target(%arg6 : memref<128x128xf32, #tpu.memory_space<vmem>>) offsets(%dma_start3A_88 : memref<128xi32, #tpu.memory_space<vmem>>) semaphore(%arg8 : memref<!tpu.dma_semaphore, #tpu.memory_space<semaphore_mem>>)
      } else {
      }
      %convert_element_type3A_75 = arith.extui %eq3A_59 : i1 to i32
      %cond3A_76 = arith.constant 0 : i32
      %cond3A_77 = arith.cmpi ne, %convert_element_type3A_75, %cond3A_76 : i32
      scf.if %cond3A_77 {
        %dma_wait3A = arith.constant 0 : i32
        %dma_wait3A_84 = tpu.memref_slice %arg5[%scan3A_42, %dma_wait3A] : memref<18x128xi32, #tpu.memory_space<vmem>> -> memref<1x128xi32, #tpu.memory_space<vmem>>
        %dma_wait3A_85 = tpu.memref_squeeze %dma_wait3A_84 : memref<1x128xi32, #tpu.memory_space<vmem>> -> memref<128xi32, #tpu.memory_space<vmem>>
        %dma_wait3A_86 = arith.constant 0 : i32
        %dma_wait3A_87 = arith.constant 0 : i32
        %dma_wait3A_88 = tpu.memref_slice %arg2[%dma_wait3A_86, %dma_wait3A_87] : memref<4096x128xf32, #tpu.memory_space<hbm>> -> memref<4096x128xf32, #tpu.memory_space<hbm>>
        tpu.wait_indirect_dma semaphore(%arg8 : memref<!tpu.dma_semaphore, #tpu.memory_space<semaphore_mem>>) src(%dma_wait3A_88 : memref<4096x128xf32, #tpu.memory_space<hbm>>) dst(%arg6 : memref<128x128xf32, #tpu.memory_space<vmem>>)
        %mul3A_89 = arith.constant 128 : i32
        %mul3A_90 = arith.muli %scan3A_42, %mul3A_89 : i32
        %add3A_91 = arith.addi %mul3A_2, %mul3A_90 : i32
        "tpu.region"() ({
          %run_scoped3A = tpu.sem_alloc : memref<!tpu.dma_semaphore, #tpu.memory_space<semaphore_mem>>
          %dma_start3A_92 = arith.constant 0 : i32
          %dma_start3A_93 = tpu.memref_slice %arg4[%add3A_91, %dma_start3A_92] : memref<73728x128xf32, #tpu.memory_space<hbm>> -> memref<128x128xf32, #tpu.memory_space<hbm>>
          %dma_start3A_94 = arith.constant 0 : i32
          %dma_start3A_95 = tpu.memref_slice %arg4[%add3A_91, %dma_start3A_94] : memref<73728x128xf32, #tpu.memory_space<hbm>> -> memref<128x128xf32, #tpu.memory_space<hbm>>
          tpu.enqueue_dma source(%arg6 : memref<128x128xf32, #tpu.memory_space<vmem>>) target(%dma_start3A_95 : memref<128x128xf32, #tpu.memory_space<hbm>>) target_semaphore(%run_scoped3A : memref<!tpu.dma_semaphore, #tpu.memory_space<semaphore_mem>>)
          %dma_wait3A_96 = arith.constant 0 : i32
          %dma_wait3A_97 = tpu.memref_slice %arg4[%add3A_91, %dma_wait3A_96] : memref<73728x128xf32, #tpu.memory_space<hbm>> -> memref<128x128xf32, #tpu.memory_space<hbm>>
          %dma_wait3A_98 = arith.constant 0 : i32
          %dma_wait3A_99 = tpu.memref_slice %arg4[%add3A_91, %dma_wait3A_98] : memref<73728x128xf32, #tpu.memory_space<hbm>> -> memref<128x128xf32, #tpu.memory_space<hbm>>
          tpu.wait_dma2 semaphore(%run_scoped3A : memref<!tpu.dma_semaphore, #tpu.memory_space<semaphore_mem>>) src(%arg6 : memref<128x128xf32, #tpu.memory_space<vmem>>) dst(%dma_wait3A_99 : memref<128x128xf32, #tpu.memory_space<hbm>>)
          tpu.yield
        }) : () -> ()
      } else {
      }
      %not3A_78 = arith.constant true
      %not3A_79 = arith.xori %eq3A_59, %not3A_78 : i1
      %convert_element_type3A_80 = arith.extui %not3A_79 : i1 to i32
      %cond3A_81 = arith.constant 0 : i32
      %cond3A_82 = arith.cmpi ne, %convert_element_type3A_80, %cond3A_81 : i32
      scf.if %cond3A_82 {
        %dma_wait3A = arith.constant 0 : i32
        %dma_wait3A_84 = tpu.memref_slice %arg5[%scan3A_42, %dma_wait3A] : memref<18x128xi32, #tpu.memory_space<vmem>> -> memref<1x128xi32, #tpu.memory_space<vmem>>
        %dma_wait3A_85 = tpu.memref_squeeze %dma_wait3A_84 : memref<1x128xi32, #tpu.memory_space<vmem>> -> memref<128xi32, #tpu.memory_space<vmem>>
        %dma_wait3A_86 = arith.constant 0 : i32
        %dma_wait3A_87 = arith.constant 0 : i32
        %dma_wait3A_88 = tpu.memref_slice %arg2[%dma_wait3A_86, %dma_wait3A_87] : memref<4096x128xf32, #tpu.memory_space<hbm>> -> memref<4096x128xf32, #tpu.memory_space<hbm>>
        tpu.wait_indirect_dma semaphore(%arg9 : memref<!tpu.dma_semaphore, #tpu.memory_space<semaphore_mem>>) src(%dma_wait3A_88 : memref<4096x128xf32, #tpu.memory_space<hbm>>) dst(%arg7 : memref<128x128xf32, #tpu.memory_space<vmem>>)
        %mul3A_89 = arith.constant 128 : i32
        %mul3A_90 = arith.muli %scan3A_42, %mul3A_89 : i32
        %add3A_91 = arith.addi %mul3A_2, %mul3A_90 : i32
        "tpu.region"() ({
          %run_scoped3A = tpu.sem_alloc : memref<!tpu.dma_semaphore, #tpu.memory_space<semaphore_mem>>
          %dma_start3A_92 = arith.constant 0 : i32
          %dma_start3A_93 = tpu.memref_slice %arg4[%add3A_91, %dma_start3A_92] : memref<73728x128xf32, #tpu.memory_space<hbm>> -> memref<128x128xf32, #tpu.memory_space<hbm>>
          %dma_start3A_94 = arith.constant 0 : i32
          %dma_start3A_95 = tpu.memref_slice %arg4[%add3A_91, %dma_start3A_94] : memref<73728x128xf32, #tpu.memory_space<hbm>> -> memref<128x128xf32, #tpu.memory_space<hbm>>
          tpu.enqueue_dma source(%arg7 : memref<128x128xf32, #tpu.memory_space<vmem>>) target(%dma_start3A_95 : memref<128x128xf32, #tpu.memory_space<hbm>>) target_semaphore(%run_scoped3A : memref<!tpu.dma_semaphore, #tpu.memory_space<semaphore_mem>>)
          %dma_wait3A_96 = arith.constant 0 : i32
          %dma_wait3A_97 = tpu.memref_slice %arg4[%add3A_91, %dma_wait3A_96] : memref<73728x128xf32, #tpu.memory_space<hbm>> -> memref<128x128xf32, #tpu.memory_space<hbm>>
          %dma_wait3A_98 = arith.constant 0 : i32
          %dma_wait3A_99 = tpu.memref_slice %arg4[%add3A_91, %dma_wait3A_98] : memref<73728x128xf32, #tpu.memory_space<hbm>> -> memref<128x128xf32, #tpu.memory_space<hbm>>
          tpu.wait_dma2 semaphore(%run_scoped3A : memref<!tpu.dma_semaphore, #tpu.memory_space<semaphore_mem>>) src(%arg7 : memref<128x128xf32, #tpu.memory_space<vmem>>) dst(%dma_wait3A_99 : memref<128x128xf32, #tpu.memory_space<hbm>>)
          tpu.yield
        }) : () -> ()
      } else {
      }
      %scan3A_83 = arith.constant 0 : i32
      scf.yield %scan3A_83 : i32
    }
    %scan3A_41 = arith.constant 18 : i32
    return
  }
}

#map = affine_map<(d0, d1) -> (0, 0)>
#map1 = affine_map<(d0, d1) -> (0, 0, 0)>
module attributes {stable_mosaic.version = 14 : i64} {
  func.func @gk(%arg0: i32, %arg1: i32, %arg2: memref<4096x128xf32, #tpu.memory_space<hbm>>, %arg3: memref<32x18x128xi32, #tpu.memory_space<hbm>>, %arg4: memref<73728x128xf32, #tpu.memory_space<hbm>>, %arg5: memref<18x128xi32, #tpu.memory_space<vmem>>, %arg6: memref<128x128xf32, #tpu.memory_space<vmem>>, %arg7: memref<128x128xf32, #tpu.memory_space<vmem>>, %arg8: memref<!tpu.dma_semaphore, #tpu.memory_space<semaphore_mem>>, %arg9: memref<!tpu.dma_semaphore, #tpu.memory_space<semaphore_mem>>) attributes {dimension_semantics = [#tpu.dimension_semantics<core_parallel>, #tpu.dimension_semantics<subcore_parallel>], iteration_bounds = array<i64: 2, 16>, scalar_prefetch = 0 : i64, scratch_operands = 5 : i64, tpu.core_type = #tpu.core_type<sc_vector_subcore>, window_params = [{transform_indices = #map}, {transform_indices = #map1}, {transform_indices = #map}]} {
    %mul3A = arith.constant 2 : i32
    %mul3A_0 = arith.muli %arg1, %mul3A : i32
    %add3A = arith.addi %mul3A_0, %arg0 : i32
    %mul3A_1 = arith.constant 2304 : i32
    %mul3A_2 = arith.muli %add3A, %mul3A_1 : i32
    %jit3A = arith.constant 16 : i32
    %div3A = arith.divsi %add3A, %jit3A : i32
    %sign3A = arith.constant 0 : i32
    %sign3A_3 = arith.cmpi sgt, %add3A, %sign3A : i32
    %sign3A_4 = arith.extui %sign3A_3 : i1 to i32
    %sign3A_5 = arith.constant 0 : i32
    %sign3A_6 = arith.cmpi slt, %add3A, %sign3A_5 : i32
    %sign3A_7 = arith.extui %sign3A_6 : i1 to i32
    %sign3A_8 = arith.subi %sign3A_4, %sign3A_7 : i32
    %sign3A_9 = arith.constant 0 : i32
    %sign3A_10 = arith.cmpi sgt, %jit3A, %sign3A_9 : i32
    %sign3A_11 = arith.extui %sign3A_10 : i1 to i32
    %sign3A_12 = arith.constant 0 : i32
    %sign3A_13 = arith.cmpi slt, %jit3A, %sign3A_12 : i32
    %sign3A_14 = arith.extui %sign3A_13 : i1 to i32
    %sign3A_15 = arith.subi %sign3A_11, %sign3A_14 : i32
    %ne3A = arith.cmpi ne, %sign3A_8, %sign3A_15 : i32
    %rem3A = arith.remsi %add3A, %jit3A : i32
    %ne3A_16 = arith.constant 0 : i32
    %ne3A_17 = arith.cmpi ne, %rem3A, %ne3A_16 : i32
    %and3A = arith.andi %ne3A, %ne3A_17 : i1
    %sub3A = arith.constant 1 : i32
    %sub3A_18 = arith.subi %div3A, %sub3A : i32
    %select_n3A = arith.select %and3A, %sub3A_18, %div3A : i32
    %add3A_19 = arith.constant 2 : i32
    %add3A_20 = arith.addi %add3A_19, %select_n3A : i32
    %mul3A_21 = arith.constant 1024 : i32
    %mul3A_22 = arith.muli %add3A_20, %mul3A_21 : i32
    "tpu.region"() ({
      %run_scoped3A = tpu.sem_alloc : memref<!tpu.dma_semaphore, #tpu.memory_space<semaphore_mem>>
      %dma_start3A_42 = arith.constant 0 : i32
      %dma_start3A_43 = arith.constant 0 : i32
      %dma_start3A_44 = tpu.memref_slice %arg3[%add3A, %dma_start3A_42, %dma_start3A_43] : memref<32x18x128xi32, #tpu.memory_space<hbm>> -> memref<1x18x128xi32, #tpu.memory_space<hbm>>
      %dma_start3A_45 = tpu.memref_squeeze %dma_start3A_44 : memref<1x18x128xi32, #tpu.memory_space<hbm>> -> memref<18x128xi32, #tpu.memory_space<hbm>>
      %dma_start3A_46 = arith.constant 0 : i32
      %dma_start3A_47 = arith.constant 0 : i32
      %dma_start3A_48 = tpu.memref_slice %arg3[%add3A, %dma_start3A_46, %dma_start3A_47] : memref<32x18x128xi32, #tpu.memory_space<hbm>> -> memref<1x18x128xi32, #tpu.memory_space<hbm>>
      %dma_start3A_49 = tpu.memref_squeeze %dma_start3A_48 : memref<1x18x128xi32, #tpu.memory_space<hbm>> -> memref<18x128xi32, #tpu.memory_space<hbm>>
      tpu.enqueue_dma source(%dma_start3A_49 : memref<18x128xi32, #tpu.memory_space<hbm>>) target(%arg5 : memref<18x128xi32, #tpu.memory_space<vmem>>) target_semaphore(%run_scoped3A : memref<!tpu.dma_semaphore, #tpu.memory_space<semaphore_mem>>)
      %dma_wait3A = arith.constant 0 : i32
      %dma_wait3A_50 = arith.constant 0 : i32
      %dma_wait3A_51 = tpu.memref_slice %arg3[%add3A, %dma_wait3A, %dma_wait3A_50] : memref<32x18x128xi32, #tpu.memory_space<hbm>> -> memref<1x18x128xi32, #tpu.memory_space<hbm>>
      %dma_wait3A_52 = tpu.memref_squeeze %dma_wait3A_51 : memref<1x18x128xi32, #tpu.memory_space<hbm>> -> memref<18x128xi32, #tpu.memory_space<hbm>>
      %dma_wait3A_53 = arith.constant 0 : i32
      %dma_wait3A_54 = arith.constant 0 : i32
      %dma_wait3A_55 = tpu.memref_slice %arg3[%add3A, %dma_wait3A_53, %dma_wait3A_54] : memref<32x18x128xi32, #tpu.memory_space<hbm>> -> memref<1x18x128xi32, #tpu.memory_space<hbm>>
      %dma_wait3A_56 = tpu.memref_squeeze %dma_wait3A_55 : memref<1x18x128xi32, #tpu.memory_space<hbm>> -> memref<18x128xi32, #tpu.memory_space<hbm>>
      tpu.wait_dma2 semaphore(%run_scoped3A : memref<!tpu.dma_semaphore, #tpu.memory_space<semaphore_mem>>) src(%dma_wait3A_56 : memref<18x128xi32, #tpu.memory_space<hbm>>) dst(%arg5 : memref<18x128xi32, #tpu.memory_space<vmem>>)
      tpu.yield
    }) : () -> ()
    %scan3A = arith.constant 0 : i32
    %scan3A_23 = arith.constant 0 : i32
    %scan3A_24 = arith.constant 18 : i32
    %scan3A_25 = arith.addi %scan3A_23, %scan3A_24 : i32
    %scan3A_26 = arith.constant 1 : i32
    %scan3A_27 = scf.for %scan3A_42 = %scan3A_23 to %scan3A_25 step %scan3A_26 iter_args(%scan3A_43 = %scan3A) -> (i32)  : i32 {
      %scan3A_44 = arith.constant 0 : i32
      %scan3A_45 = arith.constant 0 : i32
      %scan3A_46 = arith.constant 8 : i32
      %scan3A_47 = arith.addi %scan3A_45, %scan3A_46 : i32
      %scan3A_48 = arith.constant 1 : i32
      %scan3A_49 = scf.for %scan3A_51 = %scan3A_45 to %scan3A_47 step %scan3A_48 iter_args(%scan3A_52 = %scan3A_44) -> (i32)  : i32 {
        %mul3A_53 = arith.constant 16 : i32
        %mul3A_54 = arith.muli %scan3A_51, %mul3A_53 : i32
        %get3A = arith.index_cast %scan3A_42 : i32 to index
        %get3A_55 = arith.index_cast %mul3A_54 : i32 to index
        %get3A_56 = tpu.vector_load %arg5[%get3A, %get3A_55] {strides = array<i32>} : memref<18x128xi32, #tpu.memory_space<vmem>>, vector<1x16xi32>,
        %get3A_57 = vector.shape_cast %get3A_56 : vector<1x16xi32> to vector<16xi32>
        %add3A_58 = vector.broadcast %mul3A_22 : i32 to vector<16xi32>
        %add3A_59 = arith.addi %get3A_57, %add3A_58 : vector<16xi32>
        %swap3A = arith.index_cast %scan3A_42 : i32 to index
        %swap3A_60 = arith.index_cast %mul3A_54 : i32 to index
        %swap3A_61 = tpu.vector_load %arg5[%swap3A, %swap3A_60] {strides = array<i32>} : memref<18x128xi32, #tpu.memory_space<vmem>>, vector<1x16xi32>,
        %swap3A_62 = vector.shape_cast %swap3A_61 : vector<1x16xi32> to vector<16xi32>
        %swap3A_63 = vector.shape_cast %add3A_59 : vector<16xi32> to vector<1x16xi32>
        tpu.vector_store %arg5[%swap3A, %swap3A_60], %swap3A_63 {strides = array<i32>} : memref<18x128xi32, #tpu.memory_space<vmem>>, vector<1x16xi32>,
        %scan3A_64 = arith.constant 0 : i32
        scf.yield %scan3A_64 : i32
      }
      %scan3A_50 = arith.constant 8 : i32
      scf.yield %scan3A_49 : i32
    }
    %scan3A_28 = arith.constant 18 : i32
    %dma_start3A = arith.constant 0 : i32
    %dma_start3A_29 = arith.constant 0 : i32
    %dma_start3A_30 = tpu.memref_slice %arg5[%dma_start3A, %dma_start3A_29] : memref<18x128xi32, #tpu.memory_space<vmem>> -> memref<1x128xi32, #tpu.memory_space<vmem>>
    %dma_start3A_31 = tpu.memref_squeeze %dma_start3A_30 : memref<1x128xi32, #tpu.memory_space<vmem>> -> memref<128xi32, #tpu.memory_space<vmem>>
    %dma_start3A_32 = arith.constant 0 : i32
    %dma_start3A_33 = arith.constant 0 : i32
    %dma_start3A_34 = tpu.memref_slice %arg2[%dma_start3A_32, %dma_start3A_33] : memref<4096x128xf32, #tpu.memory_space<hbm>> -> memref<4096x128xf32, #tpu.memory_space<hbm>>
    tpu.enqueue_indirect_dma source(%dma_start3A_34 : memref<4096x128xf32, #tpu.memory_space<hbm>>) target(%arg6 : memref<128x128xf32, #tpu.memory_space<vmem>>) offsets(%dma_start3A_31 : memref<128xi32, #tpu.memory_space<vmem>>) semaphore(%arg8 : memref<!tpu.dma_semaphore, #tpu.memory_space<semaphore_mem>>)
    %scan3A_35 = arith.constant 0 : i32
    %scan3A_36 = arith.constant 0 : i32
    %scan3A_37 = arith.constant 18 : i32
    %scan3A_38 = arith.addi %scan3A_36, %scan3A_37 : i32
    %scan3A_39 = arith.constant 1 : i32
    %scan3A_40 = scf.for %scan3A_42 = %scan3A_36 to %scan3A_38 step %scan3A_39 iter_args(%scan3A_43 = %scan3A_35) -> (i32)  : i32 {
      %jit3A_44 = arith.constant 2 : i32
      %eq3A = arith.constant 0 : i32
      %eq3A_45 = arith.cmpi eq, %jit3A_44, %eq3A : i32
      %jit3A_46 = arith.constant 1 : i32
      %select_n3A_47 = arith.select %eq3A_45, %jit3A_46, %jit3A_44 : i32
      %rem3A_48 = arith.remsi %scan3A_42, %select_n3A_47 : i32
      %ne3A_49 = arith.constant 0 : i32
      %ne3A_50 = arith.cmpi ne, %rem3A_48, %ne3A_49 : i32
      %lt3A = arith.constant 0 : i32
      %lt3A_51 = arith.cmpi slt, %rem3A_48, %lt3A : i32
      %lt3A_52 = arith.constant 0 : i32
      %lt3A_53 = arith.cmpi slt, %select_n3A_47, %lt3A_52 : i32
      %ne3A_54 = arith.xori %lt3A_51, %lt3A_53 : i1
      %and3A_55 = arith.andi %ne3A_54, %ne3A_50 : i1
      %add3A_56 = arith.addi %rem3A_48, %select_n3A_47 : i32
      %select_n3A_57 = arith.select %and3A_55, %add3A_56, %rem3A_48 : i32
      %eq3A_58 = arith.constant 0 : i32
      %eq3A_59 = arith.cmpi eq, %select_n3A_57, %eq3A_58 : i32
      %add3A_60 = arith.constant 1 : i32
      %add3A_61 = arith.addi %scan3A_42, %add3A_60 : i32
      %lt3A_62 = arith.constant 18 : i32
      %lt3A_63 = arith.cmpi slt, %add3A_61, %lt3A_62 : i32
      %and3A_64 = arith.andi %eq3A_59, %lt3A_63 : i1
      %convert_element_type3A = arith.extui %and3A_64 : i1 to i32
      %cond3A = arith.constant 0 : i32
      %cond3A_65 = arith.cmpi ne, %convert_element_type3A, %cond3A : i32
      scf.if %cond3A_65 {
        %add3A_84 = arith.constant 1 : i32
        %add3A_85 = arith.addi %scan3A_42, %add3A_84 : i32
        %dma_start3A_86 = arith.constant 0 : i32
        %dma_start3A_87 = tpu.memref_slice %arg5[%add3A_85, %dma_start3A_86] : memref<18x128xi32, #tpu.memory_space<vmem>> -> memref<1x128xi32, #tpu.memory_space<vmem>>
        %dma_start3A_88 = tpu.memref_squeeze %dma_start3A_87 : memref<1x128xi32, #tpu.memory_space<vmem>> -> memref<128xi32, #tpu.memory_space<vmem>>
        %dma_start3A_89 = arith.constant 0 : i32
        %dma_start3A_90 = arith.constant 0 : i32
        %dma_start3A_91 = tpu.memref_slice %arg2[%dma_start3A_89, %dma_start3A_90] : memref<4096x128xf32, #tpu.memory_space<hbm>> -> memref<4096x128xf32, #tpu.memory_space<hbm>>
        tpu.enqueue_indirect_dma source(%dma_start3A_91 : memref<4096x128xf32, #tpu.memory_space<hbm>>) target(%arg7 : memref<128x128xf32, #tpu.memory_space<vmem>>) offsets(%dma_start3A_88 : memref<128xi32, #tpu.memory_space<vmem>>) semaphore(%arg9 : memref<!tpu.dma_semaphore, #tpu.memory_space<semaphore_mem>>)
      } else {
      }
      %not3A = arith.constant true
      %not3A_66 = arith.xori %eq3A_59, %not3A : i1
      %add3A_67 = arith.constant 1 : i32
      %add3A_68 = arith.addi %scan3A_42, %add3A_67 : i32
      %lt3A_69 = arith.constant 18 : i32
      %lt3A_70 = arith.cmpi slt, %add3A_68, %lt3A_69 : i32
      %and3A_71 = arith.andi %not3A_66, %lt3A_70 : i1
      %convert_element_type3A_72 = arith.extui %and3A_71 : i1 to i32
      %cond3A_73 = arith.constant 0 : i32
      %cond3A_74 = arith.cmpi ne, %convert_element_type3A_72, %cond3A_73 : i32
      scf.if %cond3A_74 {
        %add3A_84 = arith.constant 1 : i32
        %add3A_85 = arith.addi %scan3A_42, %add3A_84 : i32
        %dma_start3A_86 = arith.constant 0 : i32
        %dma_start3A_87 = tpu.memref_slice %arg5[%add3A_85, %dma_start3A_86] : memref<18x128xi32, #tpu.memory_space<vmem>> -> memref<1x128xi32, #tpu.memory_space<vmem>>
        %dma_start3A_88 = tpu.memref_squeeze %dma_start3A_87 : memref<1x128xi32, #tpu.memory_space<vmem>> -> memref<128xi32, #tpu.memory_space<vmem>>
        %dma_start3A_89 = arith.constant 0 : i32
        %dma_start3A_90 = arith.constant 0 : i32
        %dma_start3A_91 = tpu.memref_slice %arg2[%dma_start3A_89, %dma_start3A_90] : memref<4096x128xf32, #tpu.memory_space<hbm>> -> memref<4096x128xf32, #tpu.memory_space<hbm>>
        tpu.enqueue_indirect_dma source(%dma_start3A_91 : memref<4096x128xf32, #tpu.memory_space<hbm>>) target(%arg6 : memref<128x128xf32, #tpu.memory_space<vmem>>) offsets(%dma_start3A_88 : memref<128xi32, #tpu.memory_space<vmem>>) semaphore(%arg8 : memref<!tpu.dma_semaphore, #tpu.memory_space<semaphore_mem>>)
      } else {
      }
      %convert_element_type3A_75 = arith.extui %eq3A_59 : i1 to i32
      %cond3A_76 = arith.constant 0 : i32
      %cond3A_77 = arith.cmpi ne, %convert_element_type3A_75, %cond3A_76 : i32
      scf.if %cond3A_77 {
        %dma_wait3A = arith.constant 0 : i32
        %dma_wait3A_84 = tpu.memref_slice %arg5[%scan3A_42, %dma_wait3A] : memref<18x128xi32, #tpu.memory_space<vmem>> -> memref<1x128xi32, #tpu.memory_space<vmem>>
        %dma_wait3A_85 = tpu.memref_squeeze %dma_wait3A_84 : memref<1x128xi32, #tpu.memory_space<vmem>> -> memref<128xi32, #tpu.memory_space<vmem>>
        %dma_wait3A_86 = arith.constant 0 : i32
        %dma_wait3A_87 = arith.constant 0 : i32
        %dma_wait3A_88 = tpu.memref_slice %arg2[%dma_wait3A_86, %dma_wait3A_87] : memref<4096x128xf32, #tpu.memory_space<hbm>> -> memref<4096x128xf32, #tpu.memory_space<hbm>>
        tpu.wait_indirect_dma semaphore(%arg8 : memref<!tpu.dma_semaphore, #tpu.memory_space<semaphore_mem>>) src(%dma_wait3A_88 : memref<4096x128xf32, #tpu.memory_space<hbm>>) dst(%arg6 : memref<128x128xf32, #tpu.memory_space<vmem>>)
        %mul3A_89 = arith.constant 128 : i32
        %mul3A_90 = arith.muli %scan3A_42, %mul3A_89 : i32
        %add3A_91 = arith.addi %mul3A_2, %mul3A_90 : i32
        "tpu.region"() ({
          %run_scoped3A = tpu.sem_alloc : memref<!tpu.dma_semaphore, #tpu.memory_space<semaphore_mem>>
          %dma_start3A_92 = arith.constant 0 : i32
          %dma_start3A_93 = tpu.memref_slice %arg4[%add3A_91, %dma_start3A_92] : memref<73728x128xf32, #tpu.memory_space<hbm>> -> memref<128x128xf32, #tpu.memory_space<hbm>>
          %dma_start3A_94 = arith.constant 0 : i32
          %dma_start3A_95 = tpu.memref_slice %arg4[%add3A_91, %dma_start3A_94] : memref<73728x128xf32, #tpu.memory_space<hbm>> -> memref<128x128xf32, #tpu.memory_space<hbm>>
          tpu.enqueue_dma source(%arg6 : memref<128x128xf32, #tpu.memory_space<vmem>>) target(%dma_start3A_95 : memref<128x128xf32, #tpu.memory_space<hbm>>) target_semaphore(%run_scoped3A : memref<!tpu.dma_semaphore, #tpu.memory_space<semaphore_mem>>)
          %dma_wait3A_96 = arith.constant 0 : i32
          %dma_wait3A_97 = tpu.memref_slice %arg4[%add3A_91, %dma_wait3A_96] : memref<73728x128xf32, #tpu.memory_space<hbm>> -> memref<128x128xf32, #tpu.memory_space<hbm>>
          %dma_wait3A_98 = arith.constant 0 : i32
          %dma_wait3A_99 = tpu.memref_slice %arg4[%add3A_91, %dma_wait3A_98] : memref<73728x128xf32, #tpu.memory_space<hbm>> -> memref<128x128xf32, #tpu.memory_space<hbm>>
          tpu.wait_dma2 semaphore(%run_scoped3A : memref<!tpu.dma_semaphore, #tpu.memory_space<semaphore_mem>>) src(%arg6 : memref<128x128xf32, #tpu.memory_space<vmem>>) dst(%dma_wait3A_99 : memref<128x128xf32, #tpu.memory_space<hbm>>)
          tpu.yield
        }) : () -> ()
      } else {
      }
      %not3A_78 = arith.constant true
      %not3A_79 = arith.xori %eq3A_59, %not3A_78 : i1
      %convert_element_type3A_80 = arith.extui %not3A_79 : i1 to i32
      %cond3A_81 = arith.constant 0 : i32
      %cond3A_82 = arith.cmpi ne, %convert_element_type3A_80, %cond3A_81 : i32
      scf.if %cond3A_82 {
        %dma_wait3A = arith.constant 0 : i32
        %dma_wait3A_84 = tpu.memref_slice %arg5[%scan3A_42, %dma_wait3A] : memref<18x128xi32, #tpu.memory_space<vmem>> -> memref<1x128xi32, #tpu.memory_space<vmem>>
        %dma_wait3A_85 = tpu.memref_squeeze %dma_wait3A_84 : memref<1x128xi32, #tpu.memory_space<vmem>> -> memref<128xi32, #tpu.memory_space<vmem>>
        %dma_wait3A_86 = arith.constant 0 : i32
        %dma_wait3A_87 = arith.constant 0 : i32
        %dma_wait3A_88 = tpu.memref_slice %arg2[%dma_wait3A_86, %dma_wait3A_87] : memref<4096x128xf32, #tpu.memory_space<hbm>> -> memref<4096x128xf32, #tpu.memory_space<hbm>>
        tpu.wait_indirect_dma semaphore(%arg9 : memref<!tpu.dma_semaphore, #tpu.memory_space<semaphore_mem>>) src(%dma_wait3A_88 : memref<4096x128xf32, #tpu.memory_space<hbm>>) dst(%arg7 : memref<128x128xf32, #tpu.memory_space<vmem>>)
        %mul3A_89 = arith.constant 128 : i32
        %mul3A_90 = arith.muli %scan3A_42, %mul3A_89 : i32
        %add3A_91 = arith.addi %mul3A_2, %mul3A_90 : i32
        "tpu.region"() ({
          %run_scoped3A = tpu.sem_alloc : memref<!tpu.dma_semaphore, #tpu.memory_space<semaphore_mem>>
          %dma_start3A_92 = arith.constant 0 : i32
          %dma_start3A_93 = tpu.memref_slice %arg4[%add3A_91, %dma_start3A_92] : memref<73728x128xf32, #tpu.memory_space<hbm>> -> memref<128x128xf32, #tpu.memory_space<hbm>>
          %dma_start3A_94 = arith.constant 0 : i32
          %dma_start3A_95 = tpu.memref_slice %arg4[%add3A_91, %dma_start3A_94] : memref<73728x128xf32, #tpu.memory_space<hbm>> -> memref<128x128xf32, #tpu.memory_space<hbm>>
          tpu.enqueue_dma source(%arg7 : memref<128x128xf32, #tpu.memory_space<vmem>>) target(%dma_start3A_95 : memref<128x128xf32, #tpu.memory_space<hbm>>) target_semaphore(%run_scoped3A : memref<!tpu.dma_semaphore, #tpu.memory_space<semaphore_mem>>)
          %dma_wait3A_96 = arith.constant 0 : i32
          %dma_wait3A_97 = tpu.memref_slice %arg4[%add3A_91, %dma_wait3A_96] : memref<73728x128xf32, #tpu.memory_space<hbm>> -> memref<128x128xf32, #tpu.memory_space<hbm>>
          %dma_wait3A_98 = arith.constant 0 : i32
          %dma_wait3A_99 = tpu.memref_slice %arg4[%add3A_91, %dma_wait3A_98] : memref<73728x128xf32, #tpu.memory_space<hbm>> -> memref<128x128xf32, #tpu.memory_space<hbm>>
          tpu.wait_dma2 semaphore(%run_scoped3A : memref<!tpu.dma_semaphore, #tpu.memory_space<semaphore_mem>>) src(%arg7 : memref<128x128xf32, #tpu.memory_space<vmem>>) dst(%dma_wait3A_99 : memref<128x128xf32, #tpu.memory_space<hbm>>)
          tpu.yield
        }) : () -> ()
      } else {
      }
      %scan3A_83 = arith.constant 0 : i32
      scf.yield %scan3A_83 : i32
    }
    %scan3A_41 = arith.constant 18 : i32
    return
  }
}

module attributes {stable_mosaic.version = 14 : i64} {
  func.func @_proj_body(%arg0: memref<4096x128xf32, #tpu.memory_space<vmem>>, %arg1: memref<128x128xf32, #tpu.memory_space<vmem>>, %arg2: memref<4096x128xf32, #tpu.memory_space<vmem>>) attributes {dimension_semantics = [], scalar_prefetch = 0 : i64, scratch_operands = 0 : i64, tpu.core_type = #tpu.core_type<tc>} {
    %get3A = arith.constant 0 : index
    %get3A_0 = arith.constant 0 : index
    %get3A_1 = vector.load %arg0[%get3A, %get3A_0] : memref<4096x128xf32, #tpu.memory_space<vmem>>, vector<4096x128xf32>
    %get3A_2 = arith.constant 0 : index
    %get3A_3 = arith.constant 0 : index
    %get3A_4 = vector.load %arg1[%get3A_2, %get3A_3] : memref<128x128xf32, #tpu.memory_space<vmem>>, vector<128x128xf32>
    %dot_general3A = arith.constant dense<0.000000e+00> : vector<4096x128xf32>
    %dot_general3A_5 = tpu.matmul %get3A_1, %get3A_4, %dot_general3A {dimension_numbers = #tpu.dot_dimension_numbers<[1], [0], [0], [1], [0, 0, 1, 1], [], []>, transpose_lhs_hint = false} : vector<4096x128xf32>, vector<128x128xf32>, vector<4096x128xf32> -> vector<4096x128xf32>
    %swap3A = arith.constant 0 : index
    %swap3A_6 = arith.constant 0 : index
    %swap3A_7 = vector.load %arg2[%swap3A, %swap3A_6] : memref<4096x128xf32, #tpu.memory_space<vmem>>, vector<4096x128xf32>
    tpu.vector_store %arg2[%swap3A, %swap3A_6], %dot_general3A_5 {strides = array<i32>} : memref<4096x128xf32, #tpu.memory_space<vmem>>, vector<4096x128xf32>,
    return
  }
}

module attributes {stable_mosaic.version = 14 : i64} {
  func.func @body(%arg0: i32, %arg1: i32, %arg2: memref<1x128x128xf32, #tpu.memory_space<vmem>>, %arg3: memref<1x36x128x128xf32, #tpu.memory_space<vmem>>, %arg4: memref<36x128x128xf32, #tpu.memory_space<vmem>>, %arg5: memref<1x128x36xf32, #tpu.memory_space<vmem>>, %arg6: memref<1x1x1x4608xbf16, #tpu.memory_space<vmem>>, %arg7: memref<1x1x1x128xf32, #tpu.memory_space<vmem>>, %arg8: memref<128x4608xbf16, #tpu.memory_space<vmem>>, %arg9: memref<4608x128xbf16, #tpu.memory_space<vmem>>, %arg10: memref<128x128xf32, #tpu.memory_space<vmem>>, %arg11: memref<1x128xf32, #tpu.memory_space<vmem>>, %arg12: memref<128x128xbf16, #tpu.memory_space<vmem>>, %arg13: memref<128x128xbf16, #tpu.memory_space<vmem>>, %arg14: memref<1x128xf32, #tpu.memory_space<vmem>>, %arg15: memref<128x128xf32, #tpu.memory_space<vmem>>, %arg16: memref<1x128xf32, #tpu.memory_space<vmem>>, %arg17: memref<128x512xbf16, #tpu.memory_space<vmem>>, %arg18: memref<1x512xf32, #tpu.memory_space<vmem>>, %arg19: memref<512x128xbf16, #tpu.memory_space<vmem>>, %arg20: memref<1x128xf32, #tpu.memory_space<vmem>>, %arg21: memref<1x128xf32, #tpu.memory_space<vmem>>, %arg22: memref<1x128xf32, #tpu.memory_space<vmem>>, %arg23: memref<1x128xf32, #tpu.memory_space<vmem>>, %arg24: memref<1x128xf32, #tpu.memory_space<vmem>>, %arg25: memref<1x128x128xf32, #tpu.memory_space<vmem>>) attributes {dimension_semantics = [#tpu.dimension_semantics<arbitrary>, #tpu.dimension_semantics<arbitrary>], iteration_bounds = array<i64: 2, 8>, scalar_prefetch = 0 : i64, scratch_operands = 0 : i64, tpu.core_type = #tpu.core_type<tc>, window_params = [{transform_indices = @transform_0, window_bounds = array<i64: 1, 128, 128>}, {transform_indices = @transform_1, window_bounds = array<i64: 1, 36, 128, 128>}, {transform_indices = @transform_2, window_bounds = array<i64: 36, 128, 128>}, {transform_indices = @transform_3, window_bounds = array<i64: 1, 128, 36>}, {transform_indices = @transform_4, window_bounds = array<i64: 1, 1, 1, 4608>}, {transform_indices = @transform_5, window_bounds = array<i64: 1, 1, 1, 128>}, {pipeline_mode = #tpu.pipeline_mode<synchronous>, transform_indices = @transform_6, window_bounds = array<i64: 128, 4608>}, {pipeline_mode = #tpu.pipeline_mode<synchronous>, transform_indices = @transform_7, window_bounds = array<i64: 4608, 128>}, {pipeline_mode = #tpu.pipeline_mode<synchronous>, transform_indices = @transform_8, window_bounds = array<i64: 128, 128>}, {pipeline_mode = #tpu.pipeline_mode<synchronous>, transform_indices = @transform_9, window_bounds = array<i64: 1, 128>}, {pipeline_mode = #tpu.pipeline_mode<synchronous>, transform_indices = @transform_10, window_bounds = array<i64: 128, 128>}, {pipeline_mode = #tpu.pipeline_mode<synchronous>, transform_indices = @transform_11, window_bounds = array<i64: 128, 128>}, {pipeline_mode = #tpu.pipeline_mode<synchronous>, transform_indices = @transform_12, window_bounds = array<i64: 1, 128>}, {pipeline_mode = #tpu.pipeline_mode<synchronous>, transform_indices = @transform_13, window_bounds = array<i64: 128, 128>}, {pipeline_mode = #tpu.pipeline_mode<synchronous>, transform_indices = @transform_14, window_bounds = array<i64: 1, 128>}, {pipeline_mode = #tpu.pipeline_mode<synchronous>, transform_indices = @transform_15, window_bounds = array<i64: 128, 512>}, {pipeline_mode = #tpu.pipeline_mode<synchronous>, transform_indices = @transform_16, window_bounds = array<i64: 1, 512>}, {pipeline_mode = #tpu.pipeline_mode<synchronous>, transform_indices = @transform_17, window_bounds = array<i64: 512, 128>}, {pipeline_mode = #tpu.pipeline_mode<synchronous>, transform_indices = @transform_18, window_bounds = array<i64: 1, 128>}, {pipeline_mode = #tpu.pipeline_mode<synchronous>, transform_indices = @transform_19, window_bounds = array<i64: 1, 128>}, {pipeline_mode = #tpu.pipeline_mode<synchronous>, transform_indices = @transform_20, window_bounds = array<i64: 1, 128>}, {pipeline_mode = #tpu.pipeline_mode<synchronous>, transform_indices = @transform_21, window_bounds = array<i64: 1, 128>}, {pipeline_mode = #tpu.pipeline_mode<synchronous>, transform_indices = @transform_22, window_bounds = array<i64: 1, 128>}, {transform_indices = @transform_23, window_bounds = array<i64: 1, 128, 128>}]} {
    %get3A = arith.constant 0 : index
    %get3A_0 = arith.constant 0 : index
    %get3A_1 = arith.constant 0 : index
    %get3A_2 = vector.load %arg2[%get3A, %get3A_0, %get3A_1] : memref<1x128x128xf32, #tpu.memory_space<vmem>>, vector<1x128x128xf32>
    %get3A_3 = vector.shape_cast %get3A_2 : vector<1x128x128xf32> to vector<128x128xf32>
    %get3A_4 = arith.constant 0 : index
    %get3A_5 = arith.constant 0 : index
    %get3A_6 = arith.constant 0 : index
    %get3A_7 = arith.constant 0 : index
    %get3A_8 = vector.load %arg3[%get3A_4, %get3A_5, %get3A_6, %get3A_7] : memref<1x36x128x128xf32, #tpu.memory_space<vmem>>, vector<1x36x128x128xf32>
    %get3A_9 = vector.shape_cast %get3A_8 : vector<1x36x128x128xf32> to vector<36x128x128xf32>
    %reshape3A = vector.shape_cast %get3A_9 : vector<36x128x128xf32> to vector<4608x128xf32>
    %convert_element_type3A = arith.truncf %reshape3A : vector<4608x128xf32> to vector<4608x128xbf16>
    %get3A_10 = arith.constant 0 : index
    %get3A_11 = arith.constant 0 : index
    %get3A_12 = arith.constant 0 : index
    %get3A_13 = vector.load %arg4[%get3A_10, %get3A_11, %get3A_12] : memref<36x128x128xf32, #tpu.memory_space<vmem>>, vector<36x128x128xf32>
    %reshape3A_14 = vector.shape_cast %get3A_13 : vector<36x128x128xf32> to vector<4608x128xf32>
    %get3A_15 = arith.constant 0 : index
    %get3A_16 = arith.constant 0 : index
    %get3A_17 = arith.constant 0 : index
    %get3A_18 = vector.load %arg5[%get3A_15, %get3A_16, %get3A_17] : memref<1x128x36xf32, #tpu.memory_space<vmem>>, vector<1x128x36xf32>
    %get3A_19 = vector.shape_cast %get3A_18 : vector<1x128x36xf32> to vector<128x36xf32>
    %get3A_20 = arith.constant 0 : index
    %get3A_21 = arith.constant 0 : index
    %get3A_22 = arith.constant 0 : index
    %get3A_23 = arith.constant 0 : index
    %get3A_24 = vector.load %arg6[%get3A_20, %get3A_21, %get3A_22, %get3A_23] : memref<1x1x1x4608xbf16, #tpu.memory_space<vmem>>, vector<1x1x1x4608xbf16>
    %get3A_25 = vector.shape_cast %get3A_24 : vector<1x1x1x4608xbf16> to vector<1x4608xbf16>
    %get3A_26 = arith.constant 0 : index
    %get3A_27 = arith.constant 0 : index
    %get3A_28 = vector.load %arg10[%get3A_26, %get3A_27] : memref<128x128xf32, #tpu.memory_space<vmem>>, vector<128x128xf32>
    %dot_general3A = arith.constant dense<0.000000e+00> : vector<128x128xf32>
    %dot_general3A_29 = tpu.matmul %get3A_3, %get3A_28, %dot_general3A {dimension_numbers = #tpu.dot_dimension_numbers<[1], [0], [0], [1], [0, 0, 1, 1], [], []>, transpose_lhs_hint = false} : vector<128x128xf32>, vector<128x128xf32>, vector<128x128xf32> -> vector<128x128xf32>
    %get3A_30 = arith.constant 0 : index
    %get3A_31 = arith.constant 0 : index
    %get3A_32 = vector.load %arg11[%get3A_30, %get3A_31] : memref<1x128xf32, #tpu.memory_space<vmem>>, vector<1x128xf32>
    %add3A = vector.broadcast %get3A_32 : vector<1x128xf32> to vector<128x128xf32>
    %add3A_33 = arith.addf %dot_general3A_29, %add3A : vector<128x128xf32>
    %get3A_34 = arith.constant 0 : index
    %get3A_35 = arith.constant 0 : index
    %get3A_36 = vector.load %arg9[%get3A_34, %get3A_35] : memref<4608x128xbf16, #tpu.memory_space<vmem>>, vector<4608x128xbf16>
    %convert_element_type3A_37 = arith.truncf %add3A_33 : vector<128x128xf32> to vector<128x128xbf16>
    %dot_general3A_38 = arith.constant dense<0.000000e+00> : vector<4608x128xf32>
    %dot_general3A_39 = tpu.matmul %get3A_36, %convert_element_type3A_37, %dot_general3A_38 {dimension_numbers = #tpu.dot_dimension_numbers<[1], [0], [0], [1], [0, 0, 1, 1], [], []>, transpose_lhs_hint = false} : vector<4608x128xbf16>, vector<128x128xbf16>, vector<4608x128xf32> -> vector<4608x128xf32>
    %get3A_40 = arith.constant 0 : index
    %get3A_41 = arith.constant 0 : index
    %get3A_42 = vector.load %arg12[%get3A_40, %get3A_41] : memref<128x128xbf16, #tpu.memory_space<vmem>>, vector<128x128xbf16>
    %dot_general3A_43 = arith.constant dense<0.000000e+00> : vector<4608x128xf32>
    %dot_general3A_44 = tpu.matmul %convert_element_type3A, %get3A_42, %dot_general3A_43 {dimension_numbers = #tpu.dot_dimension_numbers<[1], [0], [0], [1], [0, 0, 1, 1], [], []>, transpose_lhs_hint = false} : vector<4608x128xbf16>, vector<128x128xbf16>, vector<4608x128xf32> -> vector<4608x128xf32>
    %add3A_45 = arith.addf %dot_general3A_44, %reshape3A_14 : vector<4608x128xf32>
    %add3A_46 = arith.addf %add3A_45, %dot_general3A_39 : vector<4608x128xf32>
    %mul3A = arith.constant 0.707106769 : f32
    %mul3A_47 = vector.broadcast %mul3A : f32 to vector<4608x128xf32>
    %mul3A_48 = arith.mulf %add3A_46, %mul3A_47 : vector<4608x128xf32>
    %erf3A = math.erf %mul3A_48 : vector<4608x128xf32>
    %mul3A_49 = arith.constant 5.000000e-01 : f32
    %mul3A_50 = vector.broadcast %mul3A_49 : f32 to vector<4608x128xf32>
    %mul3A_51 = arith.mulf %mul3A_50, %erf3A : vector<4608x128xf32>
    %add3A_52 = arith.constant 5.000000e-01 : f32
    %add3A_53 = vector.broadcast %add3A_52 : f32 to vector<4608x128xf32>
    %add3A_54 = arith.addf %add3A_53, %mul3A_51 : vector<4608x128xf32>
    %mul3A_55 = arith.mulf %add3A_46, %add3A_54 : vector<4608x128xf32>
    %convert_element_type3A_56 = arith.truncf %mul3A_55 : vector<4608x128xf32> to vector<4608x128xbf16>
    %get3A_57 = arith.constant 0 : index
    %get3A_58 = arith.constant 0 : index
    %get3A_59 = vector.load %arg13[%get3A_57, %get3A_58] : memref<128x128xbf16, #tpu.memory_space<vmem>>, vector<128x128xbf16>
    %dot_general3A_60 = arith.constant dense<0.000000e+00> : vector<4608x128xf32>
    %dot_general3A_61 = tpu.matmul %convert_element_type3A_56, %get3A_59, %dot_general3A_60 {dimension_numbers = #tpu.dot_dimension_numbers<[1], [0], [0], [1], [0, 0, 1, 1], [], []>, transpose_lhs_hint = false} : vector<4608x128xbf16>, vector<128x128xbf16>, vector<4608x128xf32> -> vector<4608x128xf32>
    %get3A_62 = arith.constant 0 : index
    %get3A_63 = arith.constant 0 : index
    %get3A_64 = vector.load %arg14[%get3A_62, %get3A_63] : memref<1x128xf32, #tpu.memory_space<vmem>>, vector<1x128xf32>
    %add3A_65 = vector.broadcast %get3A_64 : vector<1x128xf32> to vector<4608x128xf32>
    %add3A_66 = arith.addf %dot_general3A_61, %add3A_65 : vector<4608x128xf32>
    %mul3A_67 = arith.constant 0.707106769 : f32
    %mul3A_68 = vector.broadcast %mul3A_67 : f32 to vector<4608x128xf32>
    %mul3A_69 = arith.mulf %add3A_66, %mul3A_68 : vector<4608x128xf32>
    %erf3A_70 = math.erf %mul3A_69 : vector<4608x128xf32>
    %mul3A_71 = arith.constant 5.000000e-01 : f32
    %mul3A_72 = vector.broadcast %mul3A_71 : f32 to vector<4608x128xf32>
    %mul3A_73 = arith.mulf %mul3A_72, %erf3A_70 : vector<4608x128xf32>
    %add3A_74 = arith.constant 5.000000e-01 : f32
    %add3A_75 = vector.broadcast %add3A_74 : f32 to vector<4608x128xf32>
    %add3A_76 = arith.addf %add3A_75, %mul3A_73 : vector<4608x128xf32>
    %mul3A_77 = arith.mulf %add3A_66, %add3A_76 : vector<4608x128xf32>
    %get3A_78 = arith.constant 0 : index
    %get3A_79 = arith.constant 0 : index
    %get3A_80 = vector.load %arg8[%get3A_78, %get3A_79] : memref<128x4608xbf16, #tpu.memory_space<vmem>>, vector<128x4608xbf16>
    %mul3A_81 = vector.broadcast %get3A_25 : vector<1x4608xbf16> to vector<128x4608xbf16>
    %mul3A_82 = arith.mulf %get3A_80, %mul3A_81 : vector<128x4608xbf16>
    %convert_element_type3A_83 = arith.truncf %mul3A_77 : vector<4608x128xf32> to vector<4608x128xbf16>
    %dot_general3A_84 = arith.constant dense<0.000000e+00> : vector<128x128xf32>
    %dot_general3A_85 = tpu.matmul %mul3A_82, %convert_element_type3A_83, %dot_general3A_84 {dimension_numbers = #tpu.dot_dimension_numbers<[1], [0], [0], [1], [0, 0, 1, 1], [], []>, transpose_lhs_hint = false} : vector<128x4608xbf16>, vector<4608x128xbf16>, vector<128x128xf32> -> vector<128x128xf32>
    %reduce_sum3A = arith.constant dense<0.000000e+00> : vector<128xf32>
    %reduce_sum3A_86 = vector.multi_reduction <add>, %get3A_19, %reduce_sum3A [1] : vector<128x36xf32> to vector<128xf32>
    %broadcast_in_dim3A = vector.shape_cast %reduce_sum3A_86 : vector<128xf32> to vector<128x1xf32>
    %get3A_87 = arith.constant 0 : index
    %get3A_88 = arith.constant 0 : index
    %get3A_89 = vector.load %arg15[%get3A_87, %get3A_88] : memref<128x128xf32, #tpu.memory_space<vmem>>, vector<128x128xf32>
    %dot_general3A_90 = arith.constant dense<0.000000e+00> : vector<128x128xf32>
    %dot_general3A_91 = tpu.matmul %dot_general3A_85, %get3A_89, %dot_general3A_90 {dimension_numbers = #tpu.dot_dimension_numbers<[1], [0], [0], [1], [0, 0, 1, 1], [], []>, transpose_lhs_hint = false} : vector<128x128xf32>, vector<128x128xf32>, vector<128x128xf32> -> vector<128x128xf32>
    %get3A_92 = arith.constant 0 : index
    %get3A_93 = arith.constant 0 : index
    %get3A_94 = vector.load %arg16[%get3A_92, %get3A_93] : memref<1x128xf32, #tpu.memory_space<vmem>>, vector<1x128xf32>
    %mul3A_95 = vector.broadcast %broadcast_in_dim3A : vector<128x1xf32> to vector<128x128xf32>
    %mul3A_96 = vector.broadcast %get3A_94 : vector<1x128xf32> to vector<128x128xf32>
    %mul3A_97 = arith.mulf %mul3A_95, %mul3A_96 : vector<128x128xf32>
    %add3A_98 = arith.addf %dot_general3A_91, %mul3A_97 : vector<128x128xf32>
    %mul3A_99 = arith.constant 0.027777778 : f32
    %mul3A_100 = vector.broadcast %mul3A_99 : f32 to vector<128x128xf32>
    %mul3A_101 = arith.mulf %add3A_98, %mul3A_100 : vector<128x128xf32>
    %add3A_102 = arith.addf %get3A_3, %mul3A_101 : vector<128x128xf32>
    %get3A_103 = arith.constant 0 : index
    %get3A_104 = arith.constant 0 : index
    %get3A_105 = vector.load %arg21[%get3A_103, %get3A_104] : memref<1x128xf32, #tpu.memory_space<vmem>>, vector<1x128xf32>
    %get3A_106 = arith.constant 0 : index
    %get3A_107 = arith.constant 0 : index
    %get3A_108 = vector.load %arg22[%get3A_106, %get3A_107] : memref<1x128xf32, #tpu.memory_space<vmem>>, vector<1x128xf32>
    %reduce_sum3A_109 = arith.constant dense<0.000000e+00> : vector<128xf32>
    %reduce_sum3A_110 = vector.multi_reduction <add>, %add3A_102, %reduce_sum3A_109 [1] : vector<128x128xf32> to vector<128xf32>
    %broadcast_in_dim3A_111 = vector.shape_cast %reduce_sum3A_110 : vector<128xf32> to vector<128x1xf32>
    %div3A = arith.constant 1.280000e+02 : f32
    %div3A_112 = vector.broadcast %div3A : f32 to vector<128x1xf32>
    %div3A_113 = arith.divf %broadcast_in_dim3A_111, %div3A_112 : vector<128x1xf32>
    %sub3A = vector.broadcast %div3A_113 : vector<128x1xf32> to vector<128x128xf32>
    %sub3A_114 = arith.subf %add3A_102, %sub3A : vector<128x128xf32>
    %integer_pow3A = arith.mulf %sub3A_114, %sub3A_114 : vector<128x128xf32>
    %reduce_sum3A_115 = arith.constant dense<0.000000e+00> : vector<128xf32>
    %reduce_sum3A_116 = vector.multi_reduction <add>, %integer_pow3A, %reduce_sum3A_115 [1] : vector<128x128xf32> to vector<128xf32>
    %broadcast_in_dim3A_117 = vector.shape_cast %reduce_sum3A_116 : vector<128xf32> to vector<128x1xf32>
    %div3A_118 = arith.constant 1.280000e+02 : f32
    %div3A_119 = vector.broadcast %div3A_118 : f32 to vector<128x1xf32>
    %div3A_120 = arith.divf %broadcast_in_dim3A_117, %div3A_119 : vector<128x1xf32>
    %sub3A_121 = vector.broadcast %div3A_113 : vector<128x1xf32> to vector<128x128xf32>
    %sub3A_122 = arith.subf %add3A_102, %sub3A_121 : vector<128x128xf32>
    %add3A_123 = arith.constant 9.99999974E-6 : f32
    %add3A_124 = vector.broadcast %add3A_123 : f32 to vector<128x1xf32>
    %add3A_125 = arith.addf %div3A_120, %add3A_124 : vector<128x1xf32>
    %rsqrt3A = math.rsqrt %add3A_125 : vector<128x1xf32>
    %mul3A_126 = vector.broadcast %rsqrt3A : vector<128x1xf32> to vector<128x128xf32>
    %mul3A_127 = arith.mulf %sub3A_122, %mul3A_126 : vector<128x128xf32>
    %mul3A_128 = vector.broadcast %get3A_105 : vector<1x128xf32> to vector<128x128xf32>
    %mul3A_129 = arith.mulf %mul3A_127, %mul3A_128 : vector<128x128xf32>
    %add3A_130 = vector.broadcast %get3A_108 : vector<1x128xf32> to vector<128x128xf32>
    %add3A_131 = arith.addf %mul3A_129, %add3A_130 : vector<128x128xf32>
    %convert_element_type3A_132 = arith.truncf %add3A_131 : vector<128x128xf32> to vector<128x128xbf16>
    %get3A_133 = arith.constant 0 : index
    %get3A_134 = arith.constant 0 : index
    %get3A_135 = vector.load %arg17[%get3A_133, %get3A_134] : memref<128x512xbf16, #tpu.memory_space<vmem>>, vector<128x512xbf16>
    %dot_general3A_136 = arith.constant dense<0.000000e+00> : vector<128x512xf32>
    %dot_general3A_137 = tpu.matmul %convert_element_type3A_132, %get3A_135, %dot_general3A_136 {dimension_numbers = #tpu.dot_dimension_numbers<[1], [0], [0], [1], [0, 0, 1, 1], [], []>, transpose_lhs_hint = false} : vector<128x128xbf16>, vector<128x512xbf16>, vector<128x512xf32> -> vector<128x512xf32>
    %get3A_138 = arith.constant 0 : index
    %get3A_139 = arith.constant 0 : index
    %get3A_140 = vector.load %arg18[%get3A_138, %get3A_139] : memref<1x512xf32, #tpu.memory_space<vmem>>, vector<1x512xf32>
    %add3A_141 = vector.broadcast %get3A_140 : vector<1x512xf32> to vector<128x512xf32>
    %add3A_142 = arith.addf %dot_general3A_137, %add3A_141 : vector<128x512xf32>
    %mul3A_143 = arith.constant 0.707106769 : f32
    %mul3A_144 = vector.broadcast %mul3A_143 : f32 to vector<128x512xf32>
    %mul3A_145 = arith.mulf %add3A_142, %mul3A_144 : vector<128x512xf32>
    %erf3A_146 = math.erf %mul3A_145 : vector<128x512xf32>
    %mul3A_147 = arith.constant 5.000000e-01 : f32
    %mul3A_148 = vector.broadcast %mul3A_147 : f32 to vector<128x512xf32>
    %mul3A_149 = arith.mulf %mul3A_148, %erf3A_146 : vector<128x512xf32>
    %add3A_150 = arith.constant 5.000000e-01 : f32
    %add3A_151 = vector.broadcast %add3A_150 : f32 to vector<128x512xf32>
    %add3A_152 = arith.addf %add3A_151, %mul3A_149 : vector<128x512xf32>
    %mul3A_153 = arith.mulf %add3A_142, %add3A_152 : vector<128x512xf32>
    %convert_element_type3A_154 = arith.truncf %mul3A_153 : vector<128x512xf32> to vector<128x512xbf16>
    %get3A_155 = arith.constant 0 : index
    %get3A_156 = arith.constant 0 : index
    %get3A_157 = vector.load %arg19[%get3A_155, %get3A_156] : memref<512x128xbf16, #tpu.memory_space<vmem>>, vector<512x128xbf16>
    %dot_general3A_158 = arith.constant dense<0.000000e+00> : vector<128x128xf32>
    %dot_general3A_159 = tpu.matmul %convert_element_type3A_154, %get3A_157, %dot_general3A_158 {dimension_numbers = #tpu.dot_dimension_numbers<[1], [0], [0], [1], [0, 0, 1, 1], [], []>, transpose_lhs_hint = false} : vector<128x512xbf16>, vector<512x128xbf16>, vector<128x128xf32> -> vector<128x128xf32>
    %get3A_160 = arith.constant 0 : index
    %get3A_161 = arith.constant 0 : index
    %get3A_162 = vector.load %arg20[%get3A_160, %get3A_161] : memref<1x128xf32, #tpu.memory_space<vmem>>, vector<1x128xf32>
    %add3A_163 = vector.broadcast %get3A_162 : vector<1x128xf32> to vector<128x128xf32>
    %add3A_164 = arith.addf %dot_general3A_159, %add3A_163 : vector<128x128xf32>
    %add3A_165 = arith.addf %add3A_131, %add3A_164 : vector<128x128xf32>
    %get3A_166 = arith.constant 0 : index
    %get3A_167 = arith.constant 0 : index
    %get3A_168 = vector.load %arg23[%get3A_166, %get3A_167] : memref<1x128xf32, #tpu.memory_space<vmem>>, vector<1x128xf32>
    %get3A_169 = arith.constant 0 : index
    %get3A_170 = arith.constant 0 : index
    %get3A_171 = vector.load %arg24[%get3A_169, %get3A_170] : memref<1x128xf32, #tpu.memory_space<vmem>>, vector<1x128xf32>
    %reduce_sum3A_172 = arith.constant dense<0.000000e+00> : vector<128xf32>
    %reduce_sum3A_173 = vector.multi_reduction <add>, %add3A_165, %reduce_sum3A_172 [1] : vector<128x128xf32> to vector<128xf32>
    %broadcast_in_dim3A_174 = vector.shape_cast %reduce_sum3A_173 : vector<128xf32> to vector<128x1xf32>
    %div3A_175 = arith.constant 1.280000e+02 : f32
    %div3A_176 = vector.broadcast %div3A_175 : f32 to vector<128x1xf32>
    %div3A_177 = arith.divf %broadcast_in_dim3A_174, %div3A_176 : vector<128x1xf32>
    %sub3A_178 = vector.broadcast %div3A_177 : vector<128x1xf32> to vector<128x128xf32>
    %sub3A_179 = arith.subf %add3A_165, %sub3A_178 : vector<128x128xf32>
    %integer_pow3A_180 = arith.mulf %sub3A_179, %sub3A_179 : vector<128x128xf32>
    %reduce_sum3A_181 = arith.constant dense<0.000000e+00> : vector<128xf32>
    %reduce_sum3A_182 = vector.multi_reduction <add>, %integer_pow3A_180, %reduce_sum3A_181 [1] : vector<128x128xf32> to vector<128xf32>
    %broadcast_in_dim3A_183 = vector.shape_cast %reduce_sum3A_182 : vector<128xf32> to vector<128x1xf32>
    %div3A_184 = arith.constant 1.280000e+02 : f32
    %div3A_185 = vector.broadcast %div3A_184 : f32 to vector<128x1xf32>
    %div3A_186 = arith.divf %broadcast_in_dim3A_183, %div3A_185 : vector<128x1xf32>
    %sub3A_187 = vector.broadcast %div3A_177 : vector<128x1xf32> to vector<128x128xf32>
    %sub3A_188 = arith.subf %add3A_165, %sub3A_187 : vector<128x128xf32>
    %add3A_189 = arith.constant 9.99999974E-6 : f32
    %add3A_190 = vector.broadcast %add3A_189 : f32 to vector<128x1xf32>
    %add3A_191 = arith.addf %div3A_186, %add3A_190 : vector<128x1xf32>
    %rsqrt3A_192 = math.rsqrt %add3A_191 : vector<128x1xf32>
    %mul3A_193 = vector.broadcast %rsqrt3A_192 : vector<128x1xf32> to vector<128x128xf32>
    %mul3A_194 = arith.mulf %sub3A_188, %mul3A_193 : vector<128x128xf32>
    %mul3A_195 = vector.broadcast %get3A_168 : vector<1x128xf32> to vector<128x128xf32>
    %mul3A_196 = arith.mulf %mul3A_194, %mul3A_195 : vector<128x128xf32>
    %add3A_197 = vector.broadcast %get3A_171 : vector<1x128xf32> to vector<128x128xf32>
    %add3A_198 = arith.addf %mul3A_196, %add3A_197 : vector<128x128xf32>
    %get3A_199 = arith.constant 0 : index
    %get3A_200 = arith.constant 0 : index
    %get3A_201 = arith.constant 0 : index
    %get3A_202 = arith.constant 0 : index
    %get3A_203 = vector.load %arg7[%get3A_199, %get3A_200, %get3A_201, %get3A_202] : memref<1x1x1x128xf32, #tpu.memory_space<vmem>>, vector<1x1x1x128xf32>
    %get3A_204 = vector.shape_cast %get3A_203 : vector<1x1x1x128xf32> to vector<128xf32>
    %broadcast_in_dim3A_205 = vector.shape_cast %get3A_204 : vector<128xf32> to vector<128x1xf32>
    %mul3A_206 = vector.broadcast %broadcast_in_dim3A_205 : vector<128x1xf32> to vector<128x128xf32>
    %mul3A_207 = arith.mulf %add3A_198, %mul3A_206 : vector<128x128xf32>
    %swap3A = arith.constant 0 : index
    %swap3A_208 = arith.constant 0 : index
    %swap3A_209 = arith.constant 0 : index
    %swap3A_210 = vector.load %arg25[%swap3A, %swap3A_208, %swap3A_209] : memref<1x128x128xf32, #tpu.memory_space<vmem>>, vector<1x128x128xf32>
    %swap3A_211 = vector.shape_cast %swap3A_210 : vector<1x128x128xf32> to vector<128x128xf32>
    %swap3A_212 = vector.shape_cast %mul3A_207 : vector<128x128xf32> to vector<1x128x128xf32>
    tpu.vector_store %arg25[%swap3A, %swap3A_208, %swap3A_209], %swap3A_212 {strides = array<i32>} : memref<1x128x128xf32, #tpu.memory_space<vmem>>, vector<1x128x128xf32>,
    return
  }
  func.func @transform_0(%arg0: i32, %arg1: i32) -> (i32, i32, i32) {
    %add3A = arith.constant 0 : i32
    %add3A_0 = arith.addi %add3A, %arg0 : i32
    %c0_i32 = arith.constant 0 : i32
    %c0_i32_1 = arith.constant 0 : i32
    return %add3A_0, %arg1, %c0_i32 : i32, i32, i32
  }
  func.func @transform_1(%arg0: i32, %arg1: i32) -> (i32, i32, i32, i32) {
    %add3A = arith.constant 0 : i32
    %add3A_0 = arith.addi %add3A, %arg0 : i32
    %c0_i32 = arith.constant 0 : i32
    %c0_i32_1 = arith.constant 0 : i32
    %c0_i32_2 = arith.constant 0 : i32
    return %add3A_0, %c0_i32, %arg1, %c0_i32_1 : i32, i32, i32, i32
  }
  func.func @transform_2(%arg0: i32, %arg1: i32) -> (i32, i32, i32) {
    %c0_i32 = arith.constant 0 : i32
    %c0_i32_0 = arith.constant 0 : i32
    return %arg0, %arg1, %c0_i32 : i32, i32, i32
  }
  func.func @transform_3(%arg0: i32, %arg1: i32) -> (i32, i32, i32) {
    %add3A = arith.constant 0 : i32
    %add3A_0 = arith.addi %add3A, %arg0 : i32
    %c0_i32 = arith.constant 0 : i32
    %c0_i32_1 = arith.constant 0 : i32
    return %add3A_0, %arg1, %c0_i32 : i32, i32, i32
  }
  func.func @transform_4(%arg0: i32, %arg1: i32) -> (i32, i32, i32, i32) {
    %add3A = arith.constant 0 : i32
    %add3A_0 = arith.addi %add3A, %arg0 : i32
    %c0_i32 = arith.constant 0 : i32
    %c0_i32_1 = arith.constant 0 : i32
    %c0_i32_2 = arith.constant 0 : i32
    return %add3A_0, %arg1, %c0_i32, %c0_i32_1 : i32, i32, i32, i32
  }
  func.func @transform_5(%arg0: i32, %arg1: i32) -> (i32, i32, i32, i32) {
    %add3A = arith.constant 0 : i32
    %add3A_0 = arith.addi %add3A, %arg0 : i32
    %c0_i32 = arith.constant 0 : i32
    %c0_i32_1 = arith.constant 0 : i32
    %c0_i32_2 = arith.constant 0 : i32
    return %add3A_0, %arg1, %c0_i32, %c0_i32_1 : i32, i32, i32, i32
  }
  func.func @transform_6(%arg0: i32, %arg1: i32) -> (i32, i32) {
    %c0_i32 = arith.constant 0 : i32
    %c0_i32_0 = arith.constant 0 : i32
    %c0_i32_1 = arith.constant 0 : i32
    return %c0_i32, %c0_i32_0 : i32, i32
  }
  func.func @transform_7(%arg0: i32, %arg1: i32) -> (i32, i32) {
    %c0_i32 = arith.constant 0 : i32
    %c0_i32_0 = arith.constant 0 : i32
    %c0_i32_1 = arith.constant 0 : i32
    return %c0_i32, %c0_i32_0 : i32, i32
  }
  func.func @transform_8(%arg0: i32, %arg1: i32) -> (i32, i32) {
    %c0_i32 = arith.constant 0 : i32
    %c0_i32_0 = arith.constant 0 : i32
    %c0_i32_1 = arith.constant 0 : i32
    return %c0_i32, %c0_i32_0 : i32, i32
  }
  func.func @transform_9(%arg0: i32, %arg1: i32) -> (i32, i32) {
    %c0_i32 = arith.constant 0 : i32
    %c0_i32_0 = arith.constant 0 : i32
    %c0_i32_1 = arith.constant 0 : i32
    return %c0_i32, %c0_i32_0 : i32, i32
  }
  func.func @transform_10(%arg0: i32, %arg1: i32) -> (i32, i32) {
    %c0_i32 = arith.constant 0 : i32
    %c0_i32_0 = arith.constant 0 : i32
    %c0_i32_1 = arith.constant 0 : i32
    return %c0_i32, %c0_i32_0 : i32, i32
  }
  func.func @transform_11(%arg0: i32, %arg1: i32) -> (i32, i32) {
    %c0_i32 = arith.constant 0 : i32
    %c0_i32_0 = arith.constant 0 : i32
    %c0_i32_1 = arith.constant 0 : i32
    return %c0_i32, %c0_i32_0 : i32, i32
  }
  func.func @transform_12(%arg0: i32, %arg1: i32) -> (i32, i32) {
    %c0_i32 = arith.constant 0 : i32
    %c0_i32_0 = arith.constant 0 : i32
    %c0_i32_1 = arith.constant 0 : i32
    return %c0_i32, %c0_i32_0 : i32, i32
  }
  func.func @transform_13(%arg0: i32, %arg1: i32) -> (i32, i32) {
    %c0_i32 = arith.constant 0 : i32
    %c0_i32_0 = arith.constant 0 : i32
    %c0_i32_1 = arith.constant 0 : i32
    return %c0_i32, %c0_i32_0 : i32, i32
  }
  func.func @transform_14(%arg0: i32, %arg1: i32) -> (i32, i32) {
    %c0_i32 = arith.constant 0 : i32
    %c0_i32_0 = arith.constant 0 : i32
    %c0_i32_1 = arith.constant 0 : i32
    return %c0_i32, %c0_i32_0 : i32, i32
  }
  func.func @transform_15(%arg0: i32, %arg1: i32) -> (i32, i32) {
    %c0_i32 = arith.constant 0 : i32
    %c0_i32_0 = arith.constant 0 : i32
    %c0_i32_1 = arith.constant 0 : i32
    return %c0_i32, %c0_i32_0 : i32, i32
  }
  func.func @transform_16(%arg0: i32, %arg1: i32) -> (i32, i32) {
    %c0_i32 = arith.constant 0 : i32
    %c0_i32_0 = arith.constant 0 : i32
    %c0_i32_1 = arith.constant 0 : i32
    return %c0_i32, %c0_i32_0 : i32, i32
  }
  func.func @transform_17(%arg0: i32, %arg1: i32) -> (i32, i32) {
    %c0_i32 = arith.constant 0 : i32
    %c0_i32_0 = arith.constant 0 : i32
    %c0_i32_1 = arith.constant 0 : i32
    return %c0_i32, %c0_i32_0 : i32, i32
  }
  func.func @transform_18(%arg0: i32, %arg1: i32) -> (i32, i32) {
    %c0_i32 = arith.constant 0 : i32
    %c0_i32_0 = arith.constant 0 : i32
    %c0_i32_1 = arith.constant 0 : i32
    return %c0_i32, %c0_i32_0 : i32, i32
  }
  func.func @transform_19(%arg0: i32, %arg1: i32) -> (i32, i32) {
    %c0_i32 = arith.constant 0 : i32
    %c0_i32_0 = arith.constant 0 : i32
    %c0_i32_1 = arith.constant 0 : i32
    return %c0_i32, %c0_i32_0 : i32, i32
  }
  func.func @transform_20(%arg0: i32, %arg1: i32) -> (i32, i32) {
    %c0_i32 = arith.constant 0 : i32
    %c0_i32_0 = arith.constant 0 : i32
    %c0_i32_1 = arith.constant 0 : i32
    return %c0_i32, %c0_i32_0 : i32, i32
  }
  func.func @transform_21(%arg0: i32, %arg1: i32) -> (i32, i32) {
    %c0_i32 = arith.constant 0 : i32
    %c0_i32_0 = arith.constant 0 : i32
    %c0_i32_1 = arith.constant 0 : i32
    return %c0_i32, %c0_i32_0 : i32, i32
  }
  func.func @transform_22(%arg0: i32, %arg1: i32) -> (i32, i32) {
    %c0_i32 = arith.constant 0 : i32
    %c0_i32_0 = arith.constant 0 : i32
    %c0_i32_1 = arith.constant 0 : i32
    return %c0_i32, %c0_i32_0 : i32, i32
  }
  func.func @transform_23(%arg0: i32, %arg1: i32) -> (i32, i32, i32) {
    %c0_i32 = arith.constant 0 : i32
    %c0_i32_0 = arith.constant 0 : i32
    return %arg0, %arg1, %c0_i32 : i32, i32, i32
  }
}

module attributes {stable_mosaic.version = 14 : i64} {
  func.func @body(%arg0: i32, %arg1: i32, %arg2: memref<1x128x128xf32, #tpu.memory_space<vmem>>, %arg3: memref<1x36x128x128xf32, #tpu.memory_space<vmem>>, %arg4: memref<36x128x128xf32, #tpu.memory_space<vmem>>, %arg5: memref<1x128x36xf32, #tpu.memory_space<vmem>>, %arg6: memref<1x1x1x4608xbf16, #tpu.memory_space<vmem>>, %arg7: memref<1x1x1x128xf32, #tpu.memory_space<vmem>>, %arg8: memref<128x4608xbf16, #tpu.memory_space<vmem>>, %arg9: memref<4608x128xbf16, #tpu.memory_space<vmem>>, %arg10: memref<128x128xf32, #tpu.memory_space<vmem>>, %arg11: memref<1x128xf32, #tpu.memory_space<vmem>>, %arg12: memref<128x128xbf16, #tpu.memory_space<vmem>>, %arg13: memref<128x128xbf16, #tpu.memory_space<vmem>>, %arg14: memref<1x128xf32, #tpu.memory_space<vmem>>, %arg15: memref<128x128xf32, #tpu.memory_space<vmem>>, %arg16: memref<1x128xf32, #tpu.memory_space<vmem>>, %arg17: memref<128x512xbf16, #tpu.memory_space<vmem>>, %arg18: memref<1x512xf32, #tpu.memory_space<vmem>>, %arg19: memref<512x128xbf16, #tpu.memory_space<vmem>>, %arg20: memref<1x128xf32, #tpu.memory_space<vmem>>, %arg21: memref<1x128xf32, #tpu.memory_space<vmem>>, %arg22: memref<1x128xf32, #tpu.memory_space<vmem>>, %arg23: memref<1x128xf32, #tpu.memory_space<vmem>>, %arg24: memref<1x128xf32, #tpu.memory_space<vmem>>, %arg25: memref<1x128x128xf32, #tpu.memory_space<vmem>>) attributes {dimension_semantics = [#tpu.dimension_semantics<arbitrary>, #tpu.dimension_semantics<arbitrary>], iteration_bounds = array<i64: 2, 8>, scalar_prefetch = 0 : i64, scratch_operands = 0 : i64, tpu.core_type = #tpu.core_type<tc>, window_params = [{transform_indices = @transform_0, window_bounds = array<i64: 1, 128, 128>}, {transform_indices = @transform_1, window_bounds = array<i64: 1, 36, 128, 128>}, {transform_indices = @transform_2, window_bounds = array<i64: 36, 128, 128>}, {transform_indices = @transform_3, window_bounds = array<i64: 1, 128, 36>}, {transform_indices = @transform_4, window_bounds = array<i64: 1, 1, 1, 4608>}, {transform_indices = @transform_5, window_bounds = array<i64: 1, 1, 1, 128>}, {pipeline_mode = #tpu.pipeline_mode<synchronous>, transform_indices = @transform_6, window_bounds = array<i64: 128, 4608>}, {pipeline_mode = #tpu.pipeline_mode<synchronous>, transform_indices = @transform_7, window_bounds = array<i64: 4608, 128>}, {pipeline_mode = #tpu.pipeline_mode<synchronous>, transform_indices = @transform_8, window_bounds = array<i64: 128, 128>}, {pipeline_mode = #tpu.pipeline_mode<synchronous>, transform_indices = @transform_9, window_bounds = array<i64: 1, 128>}, {pipeline_mode = #tpu.pipeline_mode<synchronous>, transform_indices = @transform_10, window_bounds = array<i64: 128, 128>}, {pipeline_mode = #tpu.pipeline_mode<synchronous>, transform_indices = @transform_11, window_bounds = array<i64: 128, 128>}, {pipeline_mode = #tpu.pipeline_mode<synchronous>, transform_indices = @transform_12, window_bounds = array<i64: 1, 128>}, {pipeline_mode = #tpu.pipeline_mode<synchronous>, transform_indices = @transform_13, window_bounds = array<i64: 128, 128>}, {pipeline_mode = #tpu.pipeline_mode<synchronous>, transform_indices = @transform_14, window_bounds = array<i64: 1, 128>}, {pipeline_mode = #tpu.pipeline_mode<synchronous>, transform_indices = @transform_15, window_bounds = array<i64: 128, 512>}, {pipeline_mode = #tpu.pipeline_mode<synchronous>, transform_indices = @transform_16, window_bounds = array<i64: 1, 512>}, {pipeline_mode = #tpu.pipeline_mode<synchronous>, transform_indices = @transform_17, window_bounds = array<i64: 512, 128>}, {pipeline_mode = #tpu.pipeline_mode<synchronous>, transform_indices = @transform_18, window_bounds = array<i64: 1, 128>}, {pipeline_mode = #tpu.pipeline_mode<synchronous>, transform_indices = @transform_19, window_bounds = array<i64: 1, 128>}, {pipeline_mode = #tpu.pipeline_mode<synchronous>, transform_indices = @transform_20, window_bounds = array<i64: 1, 128>}, {pipeline_mode = #tpu.pipeline_mode<synchronous>, transform_indices = @transform_21, window_bounds = array<i64: 1, 128>}, {pipeline_mode = #tpu.pipeline_mode<synchronous>, transform_indices = @transform_22, window_bounds = array<i64: 1, 128>}, {transform_indices = @transform_23, window_bounds = array<i64: 1, 128, 128>}]} {
    %get3A = arith.constant 0 : index
    %get3A_0 = arith.constant 0 : index
    %get3A_1 = arith.constant 0 : index
    %get3A_2 = vector.load %arg2[%get3A, %get3A_0, %get3A_1] : memref<1x128x128xf32, #tpu.memory_space<vmem>>, vector<1x128x128xf32>
    %get3A_3 = vector.shape_cast %get3A_2 : vector<1x128x128xf32> to vector<128x128xf32>
    %get3A_4 = arith.constant 0 : index
    %get3A_5 = arith.constant 0 : index
    %get3A_6 = arith.constant 0 : index
    %get3A_7 = arith.constant 0 : index
    %get3A_8 = vector.load %arg3[%get3A_4, %get3A_5, %get3A_6, %get3A_7] : memref<1x36x128x128xf32, #tpu.memory_space<vmem>>, vector<1x36x128x128xf32>
    %get3A_9 = vector.shape_cast %get3A_8 : vector<1x36x128x128xf32> to vector<36x128x128xf32>
    %reshape3A = vector.shape_cast %get3A_9 : vector<36x128x128xf32> to vector<4608x128xf32>
    %convert_element_type3A = arith.truncf %reshape3A : vector<4608x128xf32> to vector<4608x128xbf16>
    %get3A_10 = arith.constant 0 : index
    %get3A_11 = arith.constant 0 : index
    %get3A_12 = arith.constant 0 : index
    %get3A_13 = vector.load %arg4[%get3A_10, %get3A_11, %get3A_12] : memref<36x128x128xf32, #tpu.memory_space<vmem>>, vector<36x128x128xf32>
    %reshape3A_14 = vector.shape_cast %get3A_13 : vector<36x128x128xf32> to vector<4608x128xf32>
    %get3A_15 = arith.constant 0 : index
    %get3A_16 = arith.constant 0 : index
    %get3A_17 = arith.constant 0 : index
    %get3A_18 = vector.load %arg5[%get3A_15, %get3A_16, %get3A_17] : memref<1x128x36xf32, #tpu.memory_space<vmem>>, vector<1x128x36xf32>
    %get3A_19 = vector.shape_cast %get3A_18 : vector<1x128x36xf32> to vector<128x36xf32>
    %get3A_20 = arith.constant 0 : index
    %get3A_21 = arith.constant 0 : index
    %get3A_22 = arith.constant 0 : index
    %get3A_23 = arith.constant 0 : index
    %get3A_24 = vector.load %arg6[%get3A_20, %get3A_21, %get3A_22, %get3A_23] : memref<1x1x1x4608xbf16, #tpu.memory_space<vmem>>, vector<1x1x1x4608xbf16>
    %get3A_25 = vector.shape_cast %get3A_24 : vector<1x1x1x4608xbf16> to vector<1x4608xbf16>
    %get3A_26 = arith.constant 0 : index
    %get3A_27 = arith.constant 0 : index
    %get3A_28 = vector.load %arg10[%get3A_26, %get3A_27] : memref<128x128xf32, #tpu.memory_space<vmem>>, vector<128x128xf32>
    %dot_general3A = arith.constant dense<0.000000e+00> : vector<128x128xf32>
    %dot_general3A_29 = tpu.matmul %get3A_3, %get3A_28, %dot_general3A {dimension_numbers = #tpu.dot_dimension_numbers<[1], [0], [0], [1], [0, 0, 1, 1], [], []>, transpose_lhs_hint = false} : vector<128x128xf32>, vector<128x128xf32>, vector<128x128xf32> -> vector<128x128xf32>
    %get3A_30 = arith.constant 0 : index
    %get3A_31 = arith.constant 0 : index
    %get3A_32 = vector.load %arg11[%get3A_30, %get3A_31] : memref<1x128xf32, #tpu.memory_space<vmem>>, vector<1x128xf32>
    %add3A = vector.broadcast %get3A_32 : vector<1x128xf32> to vector<128x128xf32>
    %add3A_33 = arith.addf %dot_general3A_29, %add3A : vector<128x128xf32>
    %get3A_34 = arith.constant 0 : index
    %get3A_35 = arith.constant 0 : index
    %get3A_36 = vector.load %arg9[%get3A_34, %get3A_35] : memref<4608x128xbf16, #tpu.memory_space<vmem>>, vector<4608x128xbf16>
    %convert_element_type3A_37 = arith.truncf %add3A_33 : vector<128x128xf32> to vector<128x128xbf16>
    %dot_general3A_38 = arith.constant dense<0.000000e+00> : vector<4608x128xf32>
    %dot_general3A_39 = tpu.matmul %get3A_36, %convert_element_type3A_37, %dot_general3A_38 {dimension_numbers = #tpu.dot_dimension_numbers<[1], [0], [0], [1], [0, 0, 1, 1], [], []>, transpose_lhs_hint = false} : vector<4608x128xbf16>, vector<128x128xbf16>, vector<4608x128xf32> -> vector<4608x128xf32>
    %get3A_40 = arith.constant 0 : index
    %get3A_41 = arith.constant 0 : index
    %get3A_42 = vector.load %arg12[%get3A_40, %get3A_41] : memref<128x128xbf16, #tpu.memory_space<vmem>>, vector<128x128xbf16>
    %dot_general3A_43 = arith.constant dense<0.000000e+00> : vector<4608x128xf32>
    %dot_general3A_44 = tpu.matmul %convert_element_type3A, %get3A_42, %dot_general3A_43 {dimension_numbers = #tpu.dot_dimension_numbers<[1], [0], [0], [1], [0, 0, 1, 1], [], []>, transpose_lhs_hint = false} : vector<4608x128xbf16>, vector<128x128xbf16>, vector<4608x128xf32> -> vector<4608x128xf32>
    %add3A_45 = arith.addf %dot_general3A_44, %reshape3A_14 : vector<4608x128xf32>
    %add3A_46 = arith.addf %add3A_45, %dot_general3A_39 : vector<4608x128xf32>
    %mul3A = arith.constant 0.707106769 : f32
    %mul3A_47 = vector.broadcast %mul3A : f32 to vector<4608x128xf32>
    %mul3A_48 = arith.mulf %add3A_46, %mul3A_47 : vector<4608x128xf32>
    %erf3A = math.erf %mul3A_48 : vector<4608x128xf32>
    %mul3A_49 = arith.constant 5.000000e-01 : f32
    %mul3A_50 = vector.broadcast %mul3A_49 : f32 to vector<4608x128xf32>
    %mul3A_51 = arith.mulf %mul3A_50, %erf3A : vector<4608x128xf32>
    %add3A_52 = arith.constant 5.000000e-01 : f32
    %add3A_53 = vector.broadcast %add3A_52 : f32 to vector<4608x128xf32>
    %add3A_54 = arith.addf %add3A_53, %mul3A_51 : vector<4608x128xf32>
    %mul3A_55 = arith.mulf %add3A_46, %add3A_54 : vector<4608x128xf32>
    %convert_element_type3A_56 = arith.truncf %mul3A_55 : vector<4608x128xf32> to vector<4608x128xbf16>
    %get3A_57 = arith.constant 0 : index
    %get3A_58 = arith.constant 0 : index
    %get3A_59 = vector.load %arg13[%get3A_57, %get3A_58] : memref<128x128xbf16, #tpu.memory_space<vmem>>, vector<128x128xbf16>
    %dot_general3A_60 = arith.constant dense<0.000000e+00> : vector<4608x128xf32>
    %dot_general3A_61 = tpu.matmul %convert_element_type3A_56, %get3A_59, %dot_general3A_60 {dimension_numbers = #tpu.dot_dimension_numbers<[1], [0], [0], [1], [0, 0, 1, 1], [], []>, transpose_lhs_hint = false} : vector<4608x128xbf16>, vector<128x128xbf16>, vector<4608x128xf32> -> vector<4608x128xf32>
    %get3A_62 = arith.constant 0 : index
    %get3A_63 = arith.constant 0 : index
    %get3A_64 = vector.load %arg14[%get3A_62, %get3A_63] : memref<1x128xf32, #tpu.memory_space<vmem>>, vector<1x128xf32>
    %add3A_65 = vector.broadcast %get3A_64 : vector<1x128xf32> to vector<4608x128xf32>
    %add3A_66 = arith.addf %dot_general3A_61, %add3A_65 : vector<4608x128xf32>
    %mul3A_67 = arith.constant 0.707106769 : f32
    %mul3A_68 = vector.broadcast %mul3A_67 : f32 to vector<4608x128xf32>
    %mul3A_69 = arith.mulf %add3A_66, %mul3A_68 : vector<4608x128xf32>
    %erf3A_70 = math.erf %mul3A_69 : vector<4608x128xf32>
    %mul3A_71 = arith.constant 5.000000e-01 : f32
    %mul3A_72 = vector.broadcast %mul3A_71 : f32 to vector<4608x128xf32>
    %mul3A_73 = arith.mulf %mul3A_72, %erf3A_70 : vector<4608x128xf32>
    %add3A_74 = arith.constant 5.000000e-01 : f32
    %add3A_75 = vector.broadcast %add3A_74 : f32 to vector<4608x128xf32>
    %add3A_76 = arith.addf %add3A_75, %mul3A_73 : vector<4608x128xf32>
    %mul3A_77 = arith.mulf %add3A_66, %add3A_76 : vector<4608x128xf32>
    %get3A_78 = arith.constant 0 : index
    %get3A_79 = arith.constant 0 : index
    %get3A_80 = vector.load %arg8[%get3A_78, %get3A_79] : memref<128x4608xbf16, #tpu.memory_space<vmem>>, vector<128x4608xbf16>
    %mul3A_81 = vector.broadcast %get3A_25 : vector<1x4608xbf16> to vector<128x4608xbf16>
    %mul3A_82 = arith.mulf %get3A_80, %mul3A_81 : vector<128x4608xbf16>
    %convert_element_type3A_83 = arith.truncf %mul3A_77 : vector<4608x128xf32> to vector<4608x128xbf16>
    %dot_general3A_84 = arith.constant dense<0.000000e+00> : vector<128x128xf32>
    %dot_general3A_85 = tpu.matmul %mul3A_82, %convert_element_type3A_83, %dot_general3A_84 {dimension_numbers = #tpu.dot_dimension_numbers<[1], [0], [0], [1], [0, 0, 1, 1], [], []>, transpose_lhs_hint = false} : vector<128x4608xbf16>, vector<4608x128xbf16>, vector<128x128xf32> -> vector<128x128xf32>
    %reduce_sum3A = arith.constant dense<0.000000e+00> : vector<128xf32>
    %reduce_sum3A_86 = vector.multi_reduction <add>, %get3A_19, %reduce_sum3A [1] : vector<128x36xf32> to vector<128xf32>
    %broadcast_in_dim3A = vector.shape_cast %reduce_sum3A_86 : vector<128xf32> to vector<128x1xf32>
    %get3A_87 = arith.constant 0 : index
    %get3A_88 = arith.constant 0 : index
    %get3A_89 = vector.load %arg15[%get3A_87, %get3A_88] : memref<128x128xf32, #tpu.memory_space<vmem>>, vector<128x128xf32>
    %dot_general3A_90 = arith.constant dense<0.000000e+00> : vector<128x128xf32>
    %dot_general3A_91 = tpu.matmul %dot_general3A_85, %get3A_89, %dot_general3A_90 {dimension_numbers = #tpu.dot_dimension_numbers<[1], [0], [0], [1], [0, 0, 1, 1], [], []>, transpose_lhs_hint = false} : vector<128x128xf32>, vector<128x128xf32>, vector<128x128xf32> -> vector<128x128xf32>
    %get3A_92 = arith.constant 0 : index
    %get3A_93 = arith.constant 0 : index
    %get3A_94 = vector.load %arg16[%get3A_92, %get3A_93] : memref<1x128xf32, #tpu.memory_space<vmem>>, vector<1x128xf32>
    %mul3A_95 = vector.broadcast %broadcast_in_dim3A : vector<128x1xf32> to vector<128x128xf32>
    %mul3A_96 = vector.broadcast %get3A_94 : vector<1x128xf32> to vector<128x128xf32>
    %mul3A_97 = arith.mulf %mul3A_95, %mul3A_96 : vector<128x128xf32>
    %add3A_98 = arith.addf %dot_general3A_91, %mul3A_97 : vector<128x128xf32>
    %mul3A_99 = arith.constant 0.027777778 : f32
    %mul3A_100 = vector.broadcast %mul3A_99 : f32 to vector<128x128xf32>
    %mul3A_101 = arith.mulf %add3A_98, %mul3A_100 : vector<128x128xf32>
    %add3A_102 = arith.addf %get3A_3, %mul3A_101 : vector<128x128xf32>
    %get3A_103 = arith.constant 0 : index
    %get3A_104 = arith.constant 0 : index
    %get3A_105 = vector.load %arg21[%get3A_103, %get3A_104] : memref<1x128xf32, #tpu.memory_space<vmem>>, vector<1x128xf32>
    %get3A_106 = arith.constant 0 : index
    %get3A_107 = arith.constant 0 : index
    %get3A_108 = vector.load %arg22[%get3A_106, %get3A_107] : memref<1x128xf32, #tpu.memory_space<vmem>>, vector<1x128xf32>
    %reduce_sum3A_109 = arith.constant dense<0.000000e+00> : vector<128xf32>
    %reduce_sum3A_110 = vector.multi_reduction <add>, %add3A_102, %reduce_sum3A_109 [1] : vector<128x128xf32> to vector<128xf32>
    %broadcast_in_dim3A_111 = vector.shape_cast %reduce_sum3A_110 : vector<128xf32> to vector<128x1xf32>
    %div3A = arith.constant 1.280000e+02 : f32
    %div3A_112 = vector.broadcast %div3A : f32 to vector<128x1xf32>
    %div3A_113 = arith.divf %broadcast_in_dim3A_111, %div3A_112 : vector<128x1xf32>
    %sub3A = vector.broadcast %div3A_113 : vector<128x1xf32> to vector<128x128xf32>
    %sub3A_114 = arith.subf %add3A_102, %sub3A : vector<128x128xf32>
    %integer_pow3A = arith.mulf %sub3A_114, %sub3A_114 : vector<128x128xf32>
    %reduce_sum3A_115 = arith.constant dense<0.000000e+00> : vector<128xf32>
    %reduce_sum3A_116 = vector.multi_reduction <add>, %integer_pow3A, %reduce_sum3A_115 [1] : vector<128x128xf32> to vector<128xf32>
    %broadcast_in_dim3A_117 = vector.shape_cast %reduce_sum3A_116 : vector<128xf32> to vector<128x1xf32>
    %div3A_118 = arith.constant 1.280000e+02 : f32
    %div3A_119 = vector.broadcast %div3A_118 : f32 to vector<128x1xf32>
    %div3A_120 = arith.divf %broadcast_in_dim3A_117, %div3A_119 : vector<128x1xf32>
    %sub3A_121 = vector.broadcast %div3A_113 : vector<128x1xf32> to vector<128x128xf32>
    %sub3A_122 = arith.subf %add3A_102, %sub3A_121 : vector<128x128xf32>
    %add3A_123 = arith.constant 9.99999974E-6 : f32
    %add3A_124 = vector.broadcast %add3A_123 : f32 to vector<128x1xf32>
    %add3A_125 = arith.addf %div3A_120, %add3A_124 : vector<128x1xf32>
    %rsqrt3A = math.rsqrt %add3A_125 : vector<128x1xf32>
    %mul3A_126 = vector.broadcast %rsqrt3A : vector<128x1xf32> to vector<128x128xf32>
    %mul3A_127 = arith.mulf %sub3A_122, %mul3A_126 : vector<128x128xf32>
    %mul3A_128 = vector.broadcast %get3A_105 : vector<1x128xf32> to vector<128x128xf32>
    %mul3A_129 = arith.mulf %mul3A_127, %mul3A_128 : vector<128x128xf32>
    %add3A_130 = vector.broadcast %get3A_108 : vector<1x128xf32> to vector<128x128xf32>
    %add3A_131 = arith.addf %mul3A_129, %add3A_130 : vector<128x128xf32>
    %convert_element_type3A_132 = arith.truncf %add3A_131 : vector<128x128xf32> to vector<128x128xbf16>
    %get3A_133 = arith.constant 0 : index
    %get3A_134 = arith.constant 0 : index
    %get3A_135 = vector.load %arg17[%get3A_133, %get3A_134] : memref<128x512xbf16, #tpu.memory_space<vmem>>, vector<128x512xbf16>
    %dot_general3A_136 = arith.constant dense<0.000000e+00> : vector<128x512xf32>
    %dot_general3A_137 = tpu.matmul %convert_element_type3A_132, %get3A_135, %dot_general3A_136 {dimension_numbers = #tpu.dot_dimension_numbers<[1], [0], [0], [1], [0, 0, 1, 1], [], []>, transpose_lhs_hint = false} : vector<128x128xbf16>, vector<128x512xbf16>, vector<128x512xf32> -> vector<128x512xf32>
    %get3A_138 = arith.constant 0 : index
    %get3A_139 = arith.constant 0 : index
    %get3A_140 = vector.load %arg18[%get3A_138, %get3A_139] : memref<1x512xf32, #tpu.memory_space<vmem>>, vector<1x512xf32>
    %add3A_141 = vector.broadcast %get3A_140 : vector<1x512xf32> to vector<128x512xf32>
    %add3A_142 = arith.addf %dot_general3A_137, %add3A_141 : vector<128x512xf32>
    %mul3A_143 = arith.constant 0.707106769 : f32
    %mul3A_144 = vector.broadcast %mul3A_143 : f32 to vector<128x512xf32>
    %mul3A_145 = arith.mulf %add3A_142, %mul3A_144 : vector<128x512xf32>
    %erf3A_146 = math.erf %mul3A_145 : vector<128x512xf32>
    %mul3A_147 = arith.constant 5.000000e-01 : f32
    %mul3A_148 = vector.broadcast %mul3A_147 : f32 to vector<128x512xf32>
    %mul3A_149 = arith.mulf %mul3A_148, %erf3A_146 : vector<128x512xf32>
    %add3A_150 = arith.constant 5.000000e-01 : f32
    %add3A_151 = vector.broadcast %add3A_150 : f32 to vector<128x512xf32>
    %add3A_152 = arith.addf %add3A_151, %mul3A_149 : vector<128x512xf32>
    %mul3A_153 = arith.mulf %add3A_142, %add3A_152 : vector<128x512xf32>
    %convert_element_type3A_154 = arith.truncf %mul3A_153 : vector<128x512xf32> to vector<128x512xbf16>
    %get3A_155 = arith.constant 0 : index
    %get3A_156 = arith.constant 0 : index
    %get3A_157 = vector.load %arg19[%get3A_155, %get3A_156] : memref<512x128xbf16, #tpu.memory_space<vmem>>, vector<512x128xbf16>
    %dot_general3A_158 = arith.constant dense<0.000000e+00> : vector<128x128xf32>
    %dot_general3A_159 = tpu.matmul %convert_element_type3A_154, %get3A_157, %dot_general3A_158 {dimension_numbers = #tpu.dot_dimension_numbers<[1], [0], [0], [1], [0, 0, 1, 1], [], []>, transpose_lhs_hint = false} : vector<128x512xbf16>, vector<512x128xbf16>, vector<128x128xf32> -> vector<128x128xf32>
    %get3A_160 = arith.constant 0 : index
    %get3A_161 = arith.constant 0 : index
    %get3A_162 = vector.load %arg20[%get3A_160, %get3A_161] : memref<1x128xf32, #tpu.memory_space<vmem>>, vector<1x128xf32>
    %add3A_163 = vector.broadcast %get3A_162 : vector<1x128xf32> to vector<128x128xf32>
    %add3A_164 = arith.addf %dot_general3A_159, %add3A_163 : vector<128x128xf32>
    %add3A_165 = arith.addf %add3A_131, %add3A_164 : vector<128x128xf32>
    %get3A_166 = arith.constant 0 : index
    %get3A_167 = arith.constant 0 : index
    %get3A_168 = vector.load %arg23[%get3A_166, %get3A_167] : memref<1x128xf32, #tpu.memory_space<vmem>>, vector<1x128xf32>
    %get3A_169 = arith.constant 0 : index
    %get3A_170 = arith.constant 0 : index
    %get3A_171 = vector.load %arg24[%get3A_169, %get3A_170] : memref<1x128xf32, #tpu.memory_space<vmem>>, vector<1x128xf32>
    %reduce_sum3A_172 = arith.constant dense<0.000000e+00> : vector<128xf32>
    %reduce_sum3A_173 = vector.multi_reduction <add>, %add3A_165, %reduce_sum3A_172 [1] : vector<128x128xf32> to vector<128xf32>
    %broadcast_in_dim3A_174 = vector.shape_cast %reduce_sum3A_173 : vector<128xf32> to vector<128x1xf32>
    %div3A_175 = arith.constant 1.280000e+02 : f32
    %div3A_176 = vector.broadcast %div3A_175 : f32 to vector<128x1xf32>
    %div3A_177 = arith.divf %broadcast_in_dim3A_174, %div3A_176 : vector<128x1xf32>
    %sub3A_178 = vector.broadcast %div3A_177 : vector<128x1xf32> to vector<128x128xf32>
    %sub3A_179 = arith.subf %add3A_165, %sub3A_178 : vector<128x128xf32>
    %integer_pow3A_180 = arith.mulf %sub3A_179, %sub3A_179 : vector<128x128xf32>
    %reduce_sum3A_181 = arith.constant dense<0.000000e+00> : vector<128xf32>
    %reduce_sum3A_182 = vector.multi_reduction <add>, %integer_pow3A_180, %reduce_sum3A_181 [1] : vector<128x128xf32> to vector<128xf32>
    %broadcast_in_dim3A_183 = vector.shape_cast %reduce_sum3A_182 : vector<128xf32> to vector<128x1xf32>
    %div3A_184 = arith.constant 1.280000e+02 : f32
    %div3A_185 = vector.broadcast %div3A_184 : f32 to vector<128x1xf32>
    %div3A_186 = arith.divf %broadcast_in_dim3A_183, %div3A_185 : vector<128x1xf32>
    %sub3A_187 = vector.broadcast %div3A_177 : vector<128x1xf32> to vector<128x128xf32>
    %sub3A_188 = arith.subf %add3A_165, %sub3A_187 : vector<128x128xf32>
    %add3A_189 = arith.constant 9.99999974E-6 : f32
    %add3A_190 = vector.broadcast %add3A_189 : f32 to vector<128x1xf32>
    %add3A_191 = arith.addf %div3A_186, %add3A_190 : vector<128x1xf32>
    %rsqrt3A_192 = math.rsqrt %add3A_191 : vector<128x1xf32>
    %mul3A_193 = vector.broadcast %rsqrt3A_192 : vector<128x1xf32> to vector<128x128xf32>
    %mul3A_194 = arith.mulf %sub3A_188, %mul3A_193 : vector<128x128xf32>
    %mul3A_195 = vector.broadcast %get3A_168 : vector<1x128xf32> to vector<128x128xf32>
    %mul3A_196 = arith.mulf %mul3A_194, %mul3A_195 : vector<128x128xf32>
    %add3A_197 = vector.broadcast %get3A_171 : vector<1x128xf32> to vector<128x128xf32>
    %add3A_198 = arith.addf %mul3A_196, %add3A_197 : vector<128x128xf32>
    %get3A_199 = arith.constant 0 : index
    %get3A_200 = arith.constant 0 : index
    %get3A_201 = arith.constant 0 : index
    %get3A_202 = arith.constant 0 : index
    %get3A_203 = vector.load %arg7[%get3A_199, %get3A_200, %get3A_201, %get3A_202] : memref<1x1x1x128xf32, #tpu.memory_space<vmem>>, vector<1x1x1x128xf32>
    %get3A_204 = vector.shape_cast %get3A_203 : vector<1x1x1x128xf32> to vector<128xf32>
    %broadcast_in_dim3A_205 = vector.shape_cast %get3A_204 : vector<128xf32> to vector<128x1xf32>
    %mul3A_206 = vector.broadcast %broadcast_in_dim3A_205 : vector<128x1xf32> to vector<128x128xf32>
    %mul3A_207 = arith.mulf %add3A_198, %mul3A_206 : vector<128x128xf32>
    %swap3A = arith.constant 0 : index
    %swap3A_208 = arith.constant 0 : index
    %swap3A_209 = arith.constant 0 : index
    %swap3A_210 = vector.load %arg25[%swap3A, %swap3A_208, %swap3A_209] : memref<1x128x128xf32, #tpu.memory_space<vmem>>, vector<1x128x128xf32>
    %swap3A_211 = vector.shape_cast %swap3A_210 : vector<1x128x128xf32> to vector<128x128xf32>
    %swap3A_212 = vector.shape_cast %mul3A_207 : vector<128x128xf32> to vector<1x128x128xf32>
    tpu.vector_store %arg25[%swap3A, %swap3A_208, %swap3A_209], %swap3A_212 {strides = array<i32>} : memref<1x128x128xf32, #tpu.memory_space<vmem>>, vector<1x128x128xf32>,
    return
  }
  func.func @transform_0(%arg0: i32, %arg1: i32) -> (i32, i32, i32) {
    %add3A = arith.constant 2 : i32
    %add3A_0 = arith.addi %add3A, %arg0 : i32
    %c0_i32 = arith.constant 0 : i32
    %c0_i32_1 = arith.constant 0 : i32
    return %add3A_0, %arg1, %c0_i32 : i32, i32, i32
  }
  func.func @transform_1(%arg0: i32, %arg1: i32) -> (i32, i32, i32, i32) {
    %add3A = arith.constant 2 : i32
    %add3A_0 = arith.addi %add3A, %arg0 : i32
    %c0_i32 = arith.constant 0 : i32
    %c0_i32_1 = arith.constant 0 : i32
    %c0_i32_2 = arith.constant 0 : i32
    return %add3A_0, %c0_i32, %arg1, %c0_i32_1 : i32, i32, i32, i32
  }
  func.func @transform_2(%arg0: i32, %arg1: i32) -> (i32, i32, i32) {
    %c0_i32 = arith.constant 0 : i32
    %c0_i32_0 = arith.constant 0 : i32
    return %arg0, %arg1, %c0_i32 : i32, i32, i32
  }
  func.func @transform_3(%arg0: i32, %arg1: i32) -> (i32, i32, i32) {
    %add3A = arith.constant 2 : i32
    %add3A_0 = arith.addi %add3A, %arg0 : i32
    %c0_i32 = arith.constant 0 : i32
    %c0_i32_1 = arith.constant 0 : i32
    return %add3A_0, %arg1, %c0_i32 : i32, i32, i32
  }
  func.func @transform_4(%arg0: i32, %arg1: i32) -> (i32, i32, i32, i32) {
    %add3A = arith.constant 2 : i32
    %add3A_0 = arith.addi %add3A, %arg0 : i32
    %c0_i32 = arith.constant 0 : i32
    %c0_i32_1 = arith.constant 0 : i32
    %c0_i32_2 = arith.constant 0 : i32
    return %add3A_0, %arg1, %c0_i32, %c0_i32_1 : i32, i32, i32, i32
  }
  func.func @transform_5(%arg0: i32, %arg1: i32) -> (i32, i32, i32, i32) {
    %add3A = arith.constant 2 : i32
    %add3A_0 = arith.addi %add3A, %arg0 : i32
    %c0_i32 = arith.constant 0 : i32
    %c0_i32_1 = arith.constant 0 : i32
    %c0_i32_2 = arith.constant 0 : i32
    return %add3A_0, %arg1, %c0_i32, %c0_i32_1 : i32, i32, i32, i32
  }
  func.func @transform_6(%arg0: i32, %arg1: i32) -> (i32, i32) {
    %c0_i32 = arith.constant 0 : i32
    %c0_i32_0 = arith.constant 0 : i32
    %c0_i32_1 = arith.constant 0 : i32
    return %c0_i32, %c0_i32_0 : i32, i32
  }
  func.func @transform_7(%arg0: i32, %arg1: i32) -> (i32, i32) {
    %c0_i32 = arith.constant 0 : i32
    %c0_i32_0 = arith.constant 0 : i32
    %c0_i32_1 = arith.constant 0 : i32
    return %c0_i32, %c0_i32_0 : i32, i32
  }
  func.func @transform_8(%arg0: i32, %arg1: i32) -> (i32, i32) {
    %c0_i32 = arith.constant 0 : i32
    %c0_i32_0 = arith.constant 0 : i32
    %c0_i32_1 = arith.constant 0 : i32
    return %c0_i32, %c0_i32_0 : i32, i32
  }
  func.func @transform_9(%arg0: i32, %arg1: i32) -> (i32, i32) {
    %c0_i32 = arith.constant 0 : i32
    %c0_i32_0 = arith.constant 0 : i32
    %c0_i32_1 = arith.constant 0 : i32
    return %c0_i32, %c0_i32_0 : i32, i32
  }
  func.func @transform_10(%arg0: i32, %arg1: i32) -> (i32, i32) {
    %c0_i32 = arith.constant 0 : i32
    %c0_i32_0 = arith.constant 0 : i32
    %c0_i32_1 = arith.constant 0 : i32
    return %c0_i32, %c0_i32_0 : i32, i32
  }
  func.func @transform_11(%arg0: i32, %arg1: i32) -> (i32, i32) {
    %c0_i32 = arith.constant 0 : i32
    %c0_i32_0 = arith.constant 0 : i32
    %c0_i32_1 = arith.constant 0 : i32
    return %c0_i32, %c0_i32_0 : i32, i32
  }
  func.func @transform_12(%arg0: i32, %arg1: i32) -> (i32, i32) {
    %c0_i32 = arith.constant 0 : i32
    %c0_i32_0 = arith.constant 0 : i32
    %c0_i32_1 = arith.constant 0 : i32
    return %c0_i32, %c0_i32_0 : i32, i32
  }
  func.func @transform_13(%arg0: i32, %arg1: i32) -> (i32, i32) {
    %c0_i32 = arith.constant 0 : i32
    %c0_i32_0 = arith.constant 0 : i32
    %c0_i32_1 = arith.constant 0 : i32
    return %c0_i32, %c0_i32_0 : i32, i32
  }
  func.func @transform_14(%arg0: i32, %arg1: i32) -> (i32, i32) {
    %c0_i32 = arith.constant 0 : i32
    %c0_i32_0 = arith.constant 0 : i32
    %c0_i32_1 = arith.constant 0 : i32
    return %c0_i32, %c0_i32_0 : i32, i32
  }
  func.func @transform_15(%arg0: i32, %arg1: i32) -> (i32, i32) {
    %c0_i32 = arith.constant 0 : i32
    %c0_i32_0 = arith.constant 0 : i32
    %c0_i32_1 = arith.constant 0 : i32
    return %c0_i32, %c0_i32_0 : i32, i32
  }
  func.func @transform_16(%arg0: i32, %arg1: i32) -> (i32, i32) {
    %c0_i32 = arith.constant 0 : i32
    %c0_i32_0 = arith.constant 0 : i32
    %c0_i32_1 = arith.constant 0 : i32
    return %c0_i32, %c0_i32_0 : i32, i32
  }
  func.func @transform_17(%arg0: i32, %arg1: i32) -> (i32, i32) {
    %c0_i32 = arith.constant 0 : i32
    %c0_i32_0 = arith.constant 0 : i32
    %c0_i32_1 = arith.constant 0 : i32
    return %c0_i32, %c0_i32_0 : i32, i32
  }
  func.func @transform_18(%arg0: i32, %arg1: i32) -> (i32, i32) {
    %c0_i32 = arith.constant 0 : i32
    %c0_i32_0 = arith.constant 0 : i32
    %c0_i32_1 = arith.constant 0 : i32
    return %c0_i32, %c0_i32_0 : i32, i32
  }
  func.func @transform_19(%arg0: i32, %arg1: i32) -> (i32, i32) {
    %c0_i32 = arith.constant 0 : i32
    %c0_i32_0 = arith.constant 0 : i32
    %c0_i32_1 = arith.constant 0 : i32
    return %c0_i32, %c0_i32_0 : i32, i32
  }
  func.func @transform_20(%arg0: i32, %arg1: i32) -> (i32, i32) {
    %c0_i32 = arith.constant 0 : i32
    %c0_i32_0 = arith.constant 0 : i32
    %c0_i32_1 = arith.constant 0 : i32
    return %c0_i32, %c0_i32_0 : i32, i32
  }
  func.func @transform_21(%arg0: i32, %arg1: i32) -> (i32, i32) {
    %c0_i32 = arith.constant 0 : i32
    %c0_i32_0 = arith.constant 0 : i32
    %c0_i32_1 = arith.constant 0 : i32
    return %c0_i32, %c0_i32_0 : i32, i32
  }
  func.func @transform_22(%arg0: i32, %arg1: i32) -> (i32, i32) {
    %c0_i32 = arith.constant 0 : i32
    %c0_i32_0 = arith.constant 0 : i32
    %c0_i32_1 = arith.constant 0 : i32
    return %c0_i32, %c0_i32_0 : i32, i32
  }
  func.func @transform_23(%arg0: i32, %arg1: i32) -> (i32, i32, i32) {
    %c0_i32 = arith.constant 0 : i32
    %c0_i32_0 = arith.constant 0 : i32
    return %arg0, %arg1, %c0_i32 : i32, i32, i32
  }
}

</mosaic_0001>

<sc_bundles>
// kernel: kernel.10.cloned.1.call-start
scs
__scs_entry_jumppad:
0x0: {  	(pc) =	sbr.rel $0x88, $3  }
0x1: {  	(tag) =	ssettag $0x0;
	lr =	simm.s32 $0x1  }
0x2: {  	[smem:$0x3F8E] =	sst lr;
	_ =	strace $0xD0000000  }
0x3: {  	_ = 	snop  }
0x4: {  	_ = 	snop  }
0x5: {  	_ = 	snop  }
0x6: {  	_ = 	snop  }
0x7: {  	_ = 	snop  }
__scs_overlays_trampoline_lowered:
0x8: {  	[smem:$0x3F9D] =	sst s0  }
0x9: {  	[smem:$0x3F9E] =	sst s1  }
0xa: {  	[smem:$0x3F9F] =	sst s2  }
0xb: {  	[smem:$0x3FA0] =	sst s3  }
0xc: {  	[smem:$0x3FA1] =	sst s4  }
0xd: {  	[smem:$0x3FA2] =	sst s5  }
0xe: {  	[smem:$0x3FA3] =	sst s6  }
0xf: {  	[smem:$0x3FA4] =	sst s7  }
0x10: {  	[smem:$0x3FA5] =	sst s8  }
0x11: {  	[smem:$0x3FA6] =	sst s9;
	s0 =	simm.s32 @!p0 $0x0  }
0x12: {  	s1 =	sld [smem:$0x3F8C];
	s0 =	simm.s32 @p0 $0x1  }
0x13: {  	[smem:$0x3FA7] =	sst s0;
	s0 =	simm.s32 @!p1 $0x0  }
0x14: {  	s2 =	sld [smem:$0x3F8B];
	s0 =	simm.s32 @p1 $0x1  }
0x15: {  	[smem:$0x3FA8] =	sst s0;
	s0 =	simm.s32 @!p2 $0x0  }
0x16: {  	s3 =	sld [smem:$0x3FDB];
	s0 =	simm.s32 @p2 $0x1  }
0x17: {  	s4 =	simm.s32 $0x1BF5;
	[smem:$0x3FAA] =	sst s0  }
0x18: {  	s0 =	sld [smem:$0x3F8D];
	_ =	swait.ge [sflag:s4], $0x0  }
0x19: {  	s7 =	sld [smem:$0x3F8E]  }
0x1a: {  	s8 =	sadd.s32 $0xFFFFE003, lr  }
0x1b: {  	s9 =	sadd.s32 $0xFFFFFEF7, lr;
	s5 =	simm.s32 $0xFFFFFFFF;
	p2 =	slt.u32 s8, $0xFFFFF086  }
0x1c: {  	p1 =	slt.u32 s9, $0xF7A;
	s5 =	simm.s32 @!p2 $0x0  }
0x1d: {  	s5 =	simm.s32 @p1 $0x1;
	p0 =	seq.s32 s7, s2  }
0x1e: {  	s7 =	smul.u32 @!p0 $0xF7A, s2;
	p2 =	seq.s32 @!p0 s5, $0x0  }
0x1f: {  	s9 =	smul.u32 $0xF7A, s1;
	s8 =	simm.s32 @!p0 $0x1BF5;
	p2 =	por !p2, p0  }
0x20: {  	[sflag:s8] =	ssyncset.s32 @!p0 $0xFFFFF086;
	s6 =	sadd.s32 @!p0 s3, s7;
	s7 =	simm.s32 @!p0 $0x108  }
0x21: {  	s3 =	sadd.s32 s3, s9;
	s6 =	sadd.s32 @!p0 $0x88, s6;
	s7 =	simm.s32 @p2 $0x1082  }
0x22: {  	[simem:s7], [sflag:s8] =	dma.local @!p0 [hbm:s6], $0xF7A  }
0x23: {  	s9 =	sor.u32 $0xD0000000, s2;
	s6 =	simm.s32 $0x108;
	_ =	swait.ge @!p0 [sflag:s8], $0x0  }
0x24: {  	s3 =	sadd.s32 $0x88, s3;
	s6 =	simm.s32 @!p1 $0x1082;
	[sflag:s4] =	ssyncset.s32 $0xFFFFF086  }
0x25: {  	[simem:s6], [sflag:s4] =	dma.local [hbm:s3], $0xF7A  }
0x26: {  	[smem:$0x3F8E] =	sst s1;
	(tag) =	ssettag s2;
	_ =	strace s9  }
0x27: {  	s1 =	sld [smem:$0x3F9E]  }
0x28: {  	s2 =	sld [smem:$0x3F9F]  }
0x29: {  	s4 =	sld [smem:$0x3FA1]  }
0x2a: {  	p0 =	seq.s32 s5, $0x0;
	s5 =	sld [smem:$0x3FA2]  }
0x2b: {  	s6 =	sld [smem:$0x3FA3]  }
0x2c: {  	s7 =	sld [smem:$0x3FA4]  }
0x2d: {  	s3 =	simm.s32 $0x108;
	s8 =	sld [smem:$0x3FA5]  }
0x2e: {  	s3 =	simm.s32 @!p0 $0x1082;
	s9 =	sld [smem:$0x3FA6]  }
0x2f: {  	lr =	sadd.s32 s0, s3;
	s0 =	sld [smem:$0x3F9D]  }
0x30: {  	s3 =	sld [smem:$0x3FA0]  }
0x31: {  	[smem:$0x3FA9] =	sst s10  }
0x32: {  	s10 =	sld [smem:$0x3FA7];
	_ =	sdelay $0x3  }
0x33: {  	p0 =	seq.s32 s10, $0x1;
	s10 =	sld [smem:$0x3FA9];
	_ =	sdelay $0x3  }
0x34: {  	[smem:$0x3FA9] =	sst s10  }
0x35: {  	s10 =	sld [smem:$0x3FA8];
	_ =	sdelay $0x3  }
0x36: {  	p1 =	seq.s32 s10, $0x1;
	s10 =	sld [smem:$0x3FA9];
	_ =	sdelay $0x3  }
0x37: {  	[smem:$0x3FA9] =	sst s10  }
0x38: {  	s10 =	sld [smem:$0x3FAA]  }
0x39: {  	_ = 	snop;
	(pc) =	sbr.ind lr, $3  }
0x3a: {  	_ = 	snop  }
0x3b: {  	_ = 	snop  }
0x3c: {  	p2 =	seq.s32 s10, $0x1;
	s10 =	sld [smem:$0x3FA9]  }
0x3d: {  	_ =	shalt  }
0x3e: {  	_ =	shalt  }
0x3f: {  	_ =	shalt  }
0x40: {  	_ =	shalt  }
0x41: {  	_ =	shalt  }
0x42: {  	_ =	shalt  }
0x43: {  	_ =	shalt  }
0x44: {  	_ =	shalt  }
0x45: {  	_ =	shalt  }
0x46: {  	_ =	shalt  }
0x47: {  	_ =	shalt  }
0x48: {  	_ =	shalt  }
0x49: {  	_ =	shalt  }
0x4a: {  	_ =	shalt  }
0x4b: {  	_ =	shalt  }
0x4c: {  	_ =	shalt  }
0x4d: {  	_ =	shalt  }
0x4e: {  	_ =	shalt  }
0x4f: {  	_ =	shalt  }
0x50: {  	_ =	shalt  }
0x51: {  	_ =	shalt  }
0x52: {  	_ =	shalt  }
0x53: {  	_ =	shalt  }
0x54: {  	_ =	shalt  }
0x55: {  	_ =	shalt  }
0x56: {  	_ =	shalt  }
0x57: {  	_ =	shalt  }
0x58: {  	_ =	shalt  }
0x59: {  	_ =	shalt  }
0x5a: {  	_ =	shalt  }
0x5b: {  	_ =	shalt  }
0x5c: {  	_ =	shalt  }
0x5d: {  	_ =	shalt  }
0x5e: {  	_ =	shalt  }
0x5f: {  	_ =	shalt  }
0x60: {  	_ =	shalt  }
0x61: {  	_ =	shalt  }
0x62: {  	_ =	shalt  }
0x63: {  	_ =	shalt  }
0x64: {  	_ =	shalt  }
0x65: {  	_ =	shalt  }
0x66: {  	_ =	shalt  }
0x67: {  	_ =	shalt  }
0x68: {  	_ =	shalt  }
0x69: {  	_ =	shalt  }
0x6a: {  	_ =	shalt  }
0x6b: {  	_ =	shalt  }
0x6c: {  	_ =	shalt  }
0x6d: {  	_ =	shalt  }
0x6e: {  	_ =	shalt  }
0x6f: {  	_ =	shalt  }
0x70: {  	_ =	shalt  }
0x71: {  	_ =	shalt  }
0x72: {  	_ =	shalt  }
0x73: {  	_ =	shalt  }
0x74: {  	_ =	shalt  }
0x75: {  	_ =	shalt  }
0x76: {  	_ =	shalt  }
0x77: {  	_ =	shalt  }
0x78: {  	_ =	shalt  }
0x79: {  	_ =	shalt  }
0x7a: {  	_ =	shalt  }
0x7b: {  	_ =	shalt  }
0x7c: {  	_ =	shalt  }
0x7d: {  	_ =	shalt  }
0x7e: {  	_ =	shalt  }
0x7f: {  	_ =	shalt  }
0x80: {  	_ =	shalt  }
0x81: {  	_ =	shalt  }
0x82: {  	_ =	shalt  }
0x83: {  	_ =	shalt  }
0x84: {  	_ =	shalt  }
0x85: {  	_ =	shalt  }
0x86: {  	_ =	shalt  }
0x87: {  	_ =	shalt  }
.Lfunc_end0:
.L_simem_size_0:
called_computation.1_lowered:
.L_overlay_start_0:
0x88: {  	s2 =	sld [smem:$0x3FD9]  }
0x89: {  	s3 =	sld [smem:$0x3FFE];
	_ =	sdelay $0x1  }
0x8a: {  	s1 =	srdreg.scid  }
0x8b: {  	s0 =	sand.u32 $0x1, s1  }
0x8c: {  	s17 =	sshll.u32 s0, $0xA;
	s2 =	sadd.s32 s3, s2  }
0x8d: {  	s2 =	sadd.s32 s2, s17  }
0x8e: {  	[smem:$0x3FB5] =	sst s2  }
0x8f: {  	_ = 	snop  }
0x90: {  	s2 =	sld [smem:$0x3FD0];
	(tm) =	ssettm $0x1  }
0x91: {  	s18 =	sld [smem:$0x3FFB];
	_ =	sdelay $0x3  }
0x92: {  	_ =	strace s18  }
0x93: {  	s3 =	sld [smem:$0x3FFC];
	_ =	sdelay $0x3  }
0x94: {  	_ =	strace s3  }
0x95: {  	s3 =	sld [smem:$0x3FFD];
	_ =	sdelay $0x3  }
0x96: {  	_ =	strace s3  }
0x97: {  	_ =	strace $0x8FFFFFFF  }
0x98: {  	s19 =	sld [smem:$0x3FDB];
	_ =	sdelay $0x1  }
0x99: {  	s4 =	simm.s32 $_scs_section_size  }
0x9a: {  	s5 =	simm.s32 $_size__tile_overlayer_lowered;
	s6 =	simm.s32 $_tile_overlayer_lowered  }
0x9b: {  	s22 =	simm.s32 $0x1BFF;
	s21 =	sshll.u32 s6, $0x1;
	s3 =	sadd.s32 s4, s19  }
0x9c: {  	s7 =	simm.s32 $0x0;
	s20 =	sshll.u32 s5, $0x1;
	s5 =	sadd.s32 s21, s3  }
0x9d: {  	[timem:s7], [sflag:s22] =	dma.local [hbm:s5], s20  }
0x9e: {  	_ =	swait.ge [sflag:s22], s20  }
0x9f: {  	s4 =	ssub.s32 $0x0, s20;
	[sflag:s22] =	ssyncset.done $0x0  }
0xa0: {  	[sflag:s22] =	ssyncadd.s32 s4;
	_ =	sdelay $0x1  }
0xa1: {  	s23 =	simm.s32 $0x1B8B  }
0xa2: {  	_ =	swait.ge [sflag:s23], $0x1  }
0xa3: {  	[sflag:s23] =	ssyncset.done $0x0  }
0xa4: {  	s25 =	simm.s32 $0x1B8E;
	s24 =	sld [smem:$0x3FFE];
	[sflag:s23] =	ssyncadd.s32 $0xFFFFFFFF  }
0xa5: {  	s26 =	simm.s32 $execute0_lowered;
	[smem:$0x3FD2] =	sst s25  }
0xa6: {  	s5 =	sshll.u32 s26, $0x1;
	_ =	strace $0x80000046;
	[dreg:$0x1] =	wrdreg $0xFFFFFFFF  }
0xa7: {  	s28 =	simm.s32 $_size_execute0_lowered;
	s3 =	sadd.s32 s3, s5;
	[dreg:$0x0] =	wrdreg $0x0  }
0xa8: {  	s5 =	sshll.u32 s28, $0x1;
	[dreg:$0x2] =	wrdreg s3  }
0xa9: {  	[dreg:$0x3] =	wrdreg s5  }
0xaa: {  	[dreg:$0x4] =	wrdreg $0xC0  }
0xab: {  	_ =	task [dreg:s7], $0x5FFFF  }
0xac: {  	[dreg:$0x1] =	wrdreg $0xFFFFFFFF  }
0xad: {  	[dreg:$0x0] =	wrdreg $0x60  }
0xae: {  	[dreg:$0x2] =	wrdreg s2  }
0xaf: {  	[dreg:$0x3] =	wrdreg s24  }
0xb0: {  	[dreg:$0x4] =	wrdreg $0xA  }
0xb1: {  	_ =	task.clear_ibuf [dreg:s7], $0x5FFFF;
	_ =	strace $0x90000046  }
0xb2: {  	s29 =	simm.s32 $0xA;
	_ =	strace $0x80000048  }
0xb3: {  	_ =	swait.ge [sflag:s29], $0x1  }
0xb4: {  	[sflag:s29] =	ssyncadd.s32 $0xFFFFFFFF  }
0xb5: {  	_ =	strace $0x90000048  }
0xb6: {  	_ =	sfence  }
0xb7: {  	s30 =	sld [smem:$0x0];
	_ =	sdelay $0x2  }
0xb8: {  	s31 =	sshll.u32 s1, $0xD;
	s1 =	sshrl.u32 s1, $0x2  }
0xb9: {  	s3 =	sand.u32 $0x4000, s31;
	s1 =	sadd.s32 s1, s30  }
0xba: {  	s0 =	sor.u32 s3, s0;
	s1 =	sshll.u32 s1, $0x11  }
0xbb: {  	s0 =	sor.u32 s1, s0  }
0xbc: {  	s0 =	sadd.s32 $0x8F2B, s0  }
0xbd: {  	[sflag:s0] =	ssyncadd.remote.s32 $0x1  }
0xbe: {  	_ =	sfence.sel $0xFFFF  }
0xbf: {  	[dreg:$0x0] =	wrdreg $0xFFFFFFFF;
	(pc) =	sbr.abs _section_cstart, $3  }
0xc0: {  	[dreg:$0x1] =	wrdreg $0xFFFFFFFF  }
0xc1: {  	_ =	task.clear_ibuf [dreg:s7], $0x2FFFF;
	_ =	strace $0x9FFFFFFF  }
0xc2: {  	(tm) =	ssettm $0x7FFFFFFF  }
0xc3: {  	_ =	shalt  }
tec
execute0_lowered:
.L_overlay_start_1:
0x0: {  	(tag) =	ssettag $0x1  }
0x1: {  	s2 =	rddreg [dreg:$0x0]  }
0x2: {  	s1 =	srdreg.scid;
	s0 =	stileid.u32  }
0x3: {  	s4 =	rddreg [dreg:$0x1];
	s3 =	simm.s32 $0x0;
	s12 =	simm.s32 $0x0  }
0x4: {  	s5 =	sand.u32 $0x1, s1;
	s6 =	sshll.u32 s0, $0x1;
	s1 =	rddreg [dreg:$0x2]  }
0x5: {  	[smem:$0x7FF] =	sst s3;
	s8 =	sadd.s32 $0x6000, s4;
	s10 =	smul.u32 $0x90000, s0  }
0x6: {  	s6 =	sor.u32 s5, s6;
	s25 =	ssub.s32 $0x2, s5;
	s5 =	smul.u32 $0x48000, s5  }
0x7: {  	s9 =	sshll.u32 s0, $0x7;
	_ =	strace $0x80000047;
	s7 =	smul.u32 $0x180, s6  }
0x8: {  	s9 =	sand.u32 $0x400, s9;
	s24 =	smul.u32 $0x48000, s6;
	s11 =	sshrl.u32 s25, $0x1  }
0x9: {  	s26 =	sor.u32 $0x800, s9;
	s9 =	simm.s32 $0xC00;
	s6 =	ssub.s32 s25, s11  }
0xa: {  	s30 =	sadd.s32 s5, s10;
	s10 =	simm.s32 $0x2;
	s11 =	simm.s32 $0x4C00  }
0xb: {  	s7 =	sadd.s32 s7, s4;
	s28 =	sshrl.u32 s24, $0x3;
	s5 =	smax.u32 s6, $0x1  }
0xc: {  	s31 =	sshrl.u32 s30, $0x3;
	s4 =	sadd.s32 $0x3000, s7;
	s29 =	sadd.s32 s8, s28  }
0xd: {  	v0 =	vmov s26;
	s7 =	sadd.s32 s31, s8;
	s8 =	simm.s32 $0x3;
	s6 =	sadd.s32 $0x8800, s29  }
.LBB2_1:
0xe: {  	[tilespmem:s3], [sflag:$0x3] =	stream.linear.gather [hbm4b:s4+s3], $0x900, $0x38;
	[tilespmem:$0x8C00] =	vst v63  }
0xf: {  	_ =	swait.ge [sflag:s8], $0x900  }
0x10: {  	[sflag:s8] =	ssyncset.done $0x0  }
0x11: {  	s13 =	simm.s32 $0x70;
	[sflag:s8] =	ssyncadd.s32 $0xFFFFF700  }
0x12: {  	v3 =	vld [tilespmem:s13+$0xFFFFFF90]  }
0x13: {  	v5 =	vld [tilespmem:s13+$0xFFFFFFA0]  }
0x14: {  	v4 =	vld [tilespmem:s13+$0xFFFFFFB0]  }
0x15: {  	v2 =	vld [tilespmem:s13+$0xFFFFFFC0]  }
0x16: {  	v1 =	vld [tilespmem:s13+$0xFFFFFFD0]  }
0x17: {  	s14 =	simm.s32 $0x3C0;
	v6 =	vadd.s32 v0, v3;
	v3 =	vld [tilespmem:s13+$0xFFFFFFE0]  }
.LBB2_2:
0x18: {  	p0 =	sne.s32 s14, $0x23C0;
	[tilespmem:s13+$0xFFFFFF90] =	vst v6;
	v5 =	vadd.s32 v0, v5;
	v6 =	vld [tilespmem:s13+$0x0]  }
0x19: {  	s15 =	sshra.s32 s14, $0x2;
	[tilespmem:s13+$0xFFFFFFA0] =	vst v5;
	v4 =	vadd.s32 v0, v4;
	v7 =	vld [tilespmem:s13+$0xFFFFFFF0]  }
0x1a: {  	v8 =	vld [tilespmem:s15+$0xFFFFFF90];
	[tilespmem:s13+$0xFFFFFFB0] =	vst v4;
	v2 =	vadd.s32 v0, v2  }
.Ltmp0:
0x1b: {  	v5 =	vld [tilespmem:s15+$0xFFFFFFA0];
	[tilespmem:s13+$0xFFFFFFC0] =	vst v2;
	v1 =	vadd.s32 v0, v1;
	(pc) =	sbr.rel @p0 .LBB2_2-.Ltmp0, $4  }
0x1c: {  	v4 =	vld [tilespmem:s15+$0xFFFFFFB0];
	[tilespmem:s13+$0xFFFFFFD0] =	vst v1;
	v1 =	vadd.s32 v0, v3  }
0x1d: {  	v2 =	vld [tilespmem:s15+$0xFFFFFFC0];
	[tilespmem:s13+$0xFFFFFFE0] =	vst v1;
	v3 =	vadd.s32 v0, v6  }
0x1e: {  	v1 =	vld [tilespmem:s15+$0xFFFFFFD0];
	v7 =	vadd.s32 v0, v7;
	[tilespmem:s13+$0x0] =	vst v3  }
0x1f: {  	s14 =	sadd.s32 $0x200, s14;
	v6 =	vadd.s32 v0, v8;
	v3 =	vld [tilespmem:s15+$0xFFFFFFE0];
	[tilespmem:s13+$0xFFFFFFF0] =	vst v7;
	s13 =	smov.u32 s15  }
0x20: {  	[tilespmem:s13+$0xFFFFFF90] =	vst v6;
	v5 =	vadd.s32 v0, v5;
	v62 =	vld [tilespmem:s13+$0x0]  }
0x21: {  	v63 =	vld [tilespmem:s13+$0xFFFFFFF0];
	[tilespmem:s13+$0xFFFFFFA0] =	vst v5;
	v4 =	vadd.s32 v0, v4  }
0x22: {  	[tilespmem:s13+$0xFFFFFFB0] =	vst v4;
	v2 =	vadd.s32 v0, v2  }
0x23: {  	[tilespmem:s13+$0xFFFFFFC0] =	vst v2;
	v1 =	vadd.s32 v0, v1  }
0x24: {  	[tilespmem:s13+$0xFFFFFFD0] =	vst v1;
	v1 =	vadd.s32 v0, v3  }
0x25: {  	[tilespmem:s13+$0xFFFFFFE0] =	vst v1;
	v1 =	vadd.s32 v0, v62  }
0x26: {  	v2 =	vadd.s32 v0, v63;
	[tilespmem:s13+$0x0] =	vst v1  }
0x27: {  	s14 =	simm.s32 $0x0;
	[tilespmem:s13+$0xFFFFFFF0] =	vst v2;
	s13 =	simm.s32 $0x80  }
0x28: {  	[tilespmem:s9], [sflag:$0x1] =	stream.indirect.gather [hbm4b:s2+s13], $0x80, s14, s13, $0xb8;
	[tilespmem:$0x8C00] =	vst v63  }
0x29: {  	s14 =	sand.u32 $0x1, s14  }
0x2a: {  	p0 =	seq.s32 s14, $0x1  }
0x2b: {  	p1 =	seq.s32 s14, $0x0;
	s15 =	simm.s32 @!p0 $0x80;
	s16 =	simm.s32 @!p0 $0x4C00  }
0x2c: {  	[tilespmem:s16], [sflag:$0x2] =	stream.indirect.gather @!p0 [hbm4b:s2+s15], $0x80, s13, s15, $0xb8;
	[tilespmem:$0x8C00] =	vst v63  }
0x2d: {  	p2 =	sne.s32 s14, $0x0;
	s15 =	simm.s32 @!p1 $0x80;
	s16 =	simm.s32 @!p1 $0xC00  }
0x2e: {  	[tilespmem:s16], [sflag:$0x1] =	stream.indirect.gather @!p1 [hbm4b:s2+s15], $0x80, s13, s15, $0xb8;
	[tilespmem:$0x8C00] =	vst v63  }
0x2f: {  	s13 =	simm.s32 @!p2 $0x1  }
0x30: {  	_ =	swait.ge @!p2 [sflag:s13], $0x4000  }
0x31: {  	s14 =	simm.s32 @!p2 $0x0;
	[sflag:s13] =	ssyncset.done @!p2 $0x0  }
0x32: {  	s15 =	simm.s32 @!p2 $0xC00;
	[sflag:s13] =	ssyncadd.s32 @!p2 $0xFFFFC000;
	s13 =	simm.s32 @!p2 $0x4  }
0x33: {  	[hbm4b:s7+s14] =	stream.linear.scatter @!p2 [tilespmem:s15], [sflag:$0x4], $0x4000, $0x38;
	[tilespmem:$0x8C00] =	vst v63  }
0x34: {  	_ =	swait.ge @!p2 [sflag:s13], $0x4000  }
0x35: {  	p0 =	por p0, p0;
	[sflag:s13] =	ssyncset.done @!p2 $0x0  }
0x36: {  	s14 =	simm.s32 @p0 $0x2;
	[sflag:s13] =	ssyncadd.s32 @!p2 $0xFFFFC000  }
0x37: {  	s31 =	simm.s32 $0x1;
	s17 =	simm.s32 @p0 $0x3;
	_ =	swait.ge @p0 [sflag:s14], $0x4000  }
0x38: {  	s16 =	simm.s32 @p0 $0x4C00;
	s15 =	simm.s32 @p0 $0x0;
	[sflag:s14] =	ssyncset.done @p0 $0x0  }
0x39: {  	s13 =	sadd.s32 $0x800, s7;
	[sflag:s14] =	ssyncadd.s32 @p0 $0xFFFFC000;
	s14 =	simm.s32 $0x100  }
0x3a: {  	[hbm4b:s7+s15] =	stream.linear.scatter @p0 [tilespmem:s16], [sflag:$0x3], $0x4000, $0x38;
	[tilespmem:$0x8C00] =	vst v63  }
0x3b: {  	s15 =	simm.s32 $0x2;
	s16 =	sand.u32 $0x1, s31;
	_ =	swait.ge @p0 [sflag:s17], $0x4000  }
.LBB2_4:
0x3c: {  	p3 =	seq.s32 s16, $0x1;
	p1 =	seq.s32 s16, $0x0;
	[sflag:s17] =	ssyncset.done @p0 $0x0  }
0x3d: {  	s18 =	simm.s32 @!p3 $0x80;
	s19 =	simm.s32 @!p3 $0x4C00;
	[sflag:s17] =	ssyncadd.s32 @p0 $0xFFFFC000  }
0x3e: {  	[tilespmem:s19], [sflag:$0x2] =	stream.indirect.gather @!p3 [hbm4b:s2+s18], $0x80, s14, s18, $0xb8;
	[tilespmem:$0x8C00] =	vst v63  }
0x3f: {  	p2 =	sne.s32 s16, $0x0;
	s17 =	simm.s32 @!p1 $0x80;
	s18 =	simm.s32 @!p1 $0xC00  }
0x40: {  	[tilespmem:s18], [sflag:$0x1] =	stream.indirect.gather @!p1 [hbm4b:s2+s17], $0x80, s14, s17, $0xb8;
	[tilespmem:$0x8C00] =	vst v63  }
0x41: {  	s16 =	simm.s32 @!p2 $0x1;
	s18 =	smov.u32 s15;
	s15 =	sadd.s32 $0x1, s15  }
0x42: {  	p0 =	por p3, p3;
	p1 =	sne.s32 s15, $0x11;
	_ =	swait.ge @!p2 [sflag:s16], $0x4000  }
0x43: {  	s19 =	simm.s32 @!p2 $0xC00;
	s17 =	simm.s32 @!p2 $0x0;
	[sflag:s16] =	ssyncset.done @!p2 $0x0  }
0x44: {  	[sflag:s16] =	ssyncadd.s32 @!p2 $0xFFFFC000;
	s16 =	simm.s32 @!p2 $0x4  }
0x45: {  	[hbm4b:s13+s17] =	stream.linear.scatter @!p2 [tilespmem:s19], [sflag:$0x4], $0x4000, $0x38;
	[tilespmem:$0x8C00] =	vst v63  }
0x46: {  	_ =	swait.ge @!p2 [sflag:s16], $0x4000  }
0x47: {  	s17 =	simm.s32 @p0 $0x2;
	[sflag:s16] =	ssyncset.done @!p2 $0x0  }
0x48: {  	[sflag:s16] =	ssyncadd.s32 @!p2 $0xFFFFC000  }
.Ltmp1:
0x49: {  	_ =	swait.ge @p0 [sflag:s17], $0x4000;
	(pc) =	sbr.rel @p1 .LBB2_4-.Ltmp1, $4  }
0x4a: {  	s19 =	simm.s32 @p0 $0x4C00;
	s16 =	simm.s32 @p0 $0x0;
	[sflag:s17] =	ssyncset.done @p0 $0x0  }
0x4b: {  	s14 =	sadd.s32 $0x80, s14;
	[sflag:s17] =	ssyncadd.s32 @p0 $0xFFFFC000;
	s17 =	simm.s32 @p0 $0x3  }
0x4c: {  	[hbm4b:s13+s16] =	stream.linear.scatter @p0 [tilespmem:s19], [sflag:$0x3], $0x4000, $0x38;
	[tilespmem:$0x8C00] =	vst v63  }
0x4d: {  	s16 =	sand.u32 $0x1, s18;
	s13 =	sadd.s32 $0x800, s13;
	_ =	swait.ge @p0 [sflag:s17], $0x4000  }
0x4e: {  	p1 =	seq.s32 s16, $0x1;
	p2 =	seq.s32 s16, $0x0;
	[sflag:s17] =	ssyncset.done @p0 $0x0  }
0x4f: {  	s15 =	simm.s32 @!p1 $0x80;
	s18 =	simm.s32 @!p1 $0x4C00;
	[sflag:s17] =	ssyncadd.s32 @p0 $0xFFFFC000  }
0x50: {  	[tilespmem:s18], [sflag:$0x2] =	stream.indirect.gather @!p1 [hbm4b:s2+s15], $0x80, s14, s15, $0xb8;
	[tilespmem:$0x8C00] =	vst v63  }
0x51: {  	s17 =	simm.s32 @!p2 $0xC00;
	p0 =	sne.s32 s16, $0x0;
	s15 =	simm.s32 @!p2 $0x80  }
0x52: {  	[tilespmem:s17], [sflag:$0x1] =	stream.indirect.gather @!p2 [hbm4b:s2+s15], $0x80, s14, s15, $0xb8;
	[tilespmem:$0x8C00] =	vst v63  }
0x53: {  	s14 =	simm.s32 @!p0 $0x1  }
0x54: {  	_ =	swait.ge @!p0 [sflag:s14], $0x4000  }
0x55: {  	s16 =	simm.s32 @!p0 $0xC00;
	[sflag:s14] =	ssyncset.done @!p0 $0x0  }
0x56: {  	s15 =	simm.s32 @!p0 $0x0;
	[sflag:s14] =	ssyncadd.s32 @!p0 $0xFFFFC000;
	s14 =	simm.s32 @!p0 $0x4  }
0x57: {  	[hbm4b:s13+s15] =	stream.linear.scatter @!p0 [tilespmem:s16], [sflag:$0x4], $0x4000, $0x38;
	[tilespmem:$0x8C00] =	vst v63  }
0x58: {  	_ =	swait.ge @!p0 [sflag:s14], $0x4000  }
0x59: {  	p1 =	por p1, p1;
	[sflag:s14] =	ssyncset.done @!p0 $0x0  }
0x5a: {  	s15 =	simm.s32 @p1 $0x2;
	[sflag:s14] =	ssyncadd.s32 @!p0 $0xFFFFC000  }
0x5b: {  	_ =	swait.ge @p1 [sflag:s15], $0x4000  }
0x5c: {  	s16 =	simm.s32 @p1 $0x4C00;
	[sflag:s15] =	ssyncset.done @p1 $0x0  }
0x5d: {  	s14 =	simm.s32 @p1 $0x0;
	[sflag:s15] =	ssyncadd.s32 @p1 $0xFFFFC000;
	s15 =	simm.s32 @p1 $0x3  }
0x5e: {  	[hbm4b:s13+s14] =	stream.linear.scatter @p1 [tilespmem:s16], [sflag:$0x3], $0x4000, $0x38;
	[tilespmem:$0x8C00] =	vst v63  }
0x5f: {  	_ =	swait.ge @p1 [sflag:s15], $0x4000  }
0x60: {  	[sflag:s15] =	ssyncset.done @p1 $0x0  }
0x61: {  	[sflag:s15] =	ssyncadd.s32 @p1 $0xFFFFC000  }
0x62: {  	s12 =	sadd.s32 $0x1, s12;
	_ =	swait.ge [sflag:s10], $0x4000  }
0x63: {  	p0 =	sne.s32 s12, s5;
	[sflag:s10] =	ssyncset.done $0x0  }
.Ltmp2:
0x64: {  	[sflag:s10] =	ssyncadd.s32 $0xFFFFC000;
	(pc) =	sbr.rel @p0 .LBB2_1-.Ltmp2, $4  }
0x65: {  	[hbm4b:s6+s3] =	stream.linear.scatter [tilespmem:s11], [sflag:$0x3], $0x4000, $0x38;
	[tilespmem:$0x8C00] =	vst v63  }
0x66: {  	_ =	swait.ge [sflag:s8], $0x4000  }
0x67: {  	[sflag:s8] =	ssyncset.done $0x0  }
0x68: {  	[sflag:s8] =	ssyncadd.s32 $0xFFFFC000  }
0x69: {  	_ =	sfence.sel $0x180000  }
0x6a: {  	[bflag:$0x0] =	sbarrier.arrive $0xFFFF  }
0x6b: {  	p0 =	sne.s32 s0, $0x0;
	_ =	strace $0x90000047  }
0x6c: {  	s0 =	sadd.s32 @!p0 $0x100000, s1;
	[bflag:$0x2] =	sbarrier.arrive $0xFFFF  }
0x6d: {  	[sflag:s0] =	ssyncadd.tile.s32 @!p0 $0x1;
	_ =	shalt  }
.Lfunc_end2:
_tile_overlayer_lowered:
.L_overlay_start_2:
0x6e: {  	(tag) =	ssettag $0x2  }
0x6f: {  	s0 =	rddreg [dreg:$0x0];
	s2 =	stileid.u32  }
0x70: {  	s1 =	rddreg [dreg:$0x1];
	p0 =	sne.s32 s2, $0x0  }
0x71: {  	s3 =	rddreg [dreg:$0x2];
	[bflag:$0x3] =	sbarrier.arrive $0xFFFF;
	s2 =	simm.s32 @!p0 $0x1C03  }
0x72: {  	[timem:s3], [sflag:s2] =	dma.local @!p0 [hbm:s0], s1  }
0x73: {  	s0 =	simm.s32 @!p0 $0x3  }
0x74: {  	_ =	swait.ge @!p0 [sflag:s0], s1  }
0x75: {  	s1 =	ssub.s32 @!p0 $0x0, s1;
	[sflag:s0] =	ssyncset.done @!p0 $0x0  }
0x76: {  	[sflag:s0] =	ssyncadd.s32 @!p0 s1  }
0x77: {  	[bflag:$0x3] =	sbarrier.arrive $0xFFFF  }
0x78: {  	_ =	shalt  }

// kernel: kernel.7.cloned.1.call-start
scs
__scs_entry_jumppad:
0x0: {  	(pc) =	sbr.rel $0x88, $3  }
0x1: {  	(tag) =	ssettag $0x0;
	lr =	simm.s32 $0x1  }
0x2: {  	[smem:$0x3F8E] =	sst lr;
	_ =	strace $0xD0000000  }
0x3: {  	_ = 	snop  }
0x4: {  	_ = 	snop  }
0x5: {  	_ = 	snop  }
0x6: {  	_ = 	snop  }
0x7: {  	_ = 	snop  }
__scs_overlays_trampoline_lowered:
0x8: {  	[smem:$0x3F9D] =	sst s0  }
0x9: {  	[smem:$0x3F9E] =	sst s1  }
0xa: {  	[smem:$0x3F9F] =	sst s2  }
0xb: {  	[smem:$0x3FA0] =	sst s3  }
0xc: {  	[smem:$0x3FA1] =	sst s4  }
0xd: {  	[smem:$0x3FA2] =	sst s5  }
0xe: {  	[smem:$0x3FA3] =	sst s6  }
0xf: {  	[smem:$0x3FA4] =	sst s7  }
0x10: {  	[smem:$0x3FA5] =	sst s8  }
0x11: {  	[smem:$0x3FA6] =	sst s9;
	s0 =	simm.s32 @!p0 $0x0  }
0x12: {  	s1 =	sld [smem:$0x3F8C];
	s0 =	simm.s32 @p0 $0x1  }
0x13: {  	[smem:$0x3FA7] =	sst s0;
	s0 =	simm.s32 @!p1 $0x0  }
0x14: {  	s2 =	sld [smem:$0x3F8B];
	s0 =	simm.s32 @p1 $0x1  }
0x15: {  	[smem:$0x3FA8] =	sst s0;
	s0 =	simm.s32 @!p2 $0x0  }
0x16: {  	s3 =	sld [smem:$0x3FDB];
	s0 =	simm.s32 @p2 $0x1  }
0x17: {  	s4 =	simm.s32 $0x1BF5;
	[smem:$0x3FAA] =	sst s0  }
0x18: {  	s0 =	sld [smem:$0x3F8D];
	_ =	swait.ge [sflag:s4], $0x0  }
0x19: {  	s7 =	sld [smem:$0x3F8E]  }
0x1a: {  	s8 =	sadd.s32 $0xFFFFE003, lr  }
0x1b: {  	s9 =	sadd.s32 $0xFFFFFEF7, lr;
	s5 =	simm.s32 $0xFFFFFFFF;
	p2 =	slt.u32 s8, $0xFFFFF086  }
0x1c: {  	p1 =	slt.u32 s9, $0xF7A;
	s5 =	simm.s32 @!p2 $0x0  }
0x1d: {  	s5 =	simm.s32 @p1 $0x1;
	p0 =	seq.s32 s7, s2  }
0x1e: {  	s7 =	smul.u32 @!p0 $0xF7A, s2;
	p2 =	seq.s32 @!p0 s5, $0x0  }
0x1f: {  	s9 =	smul.u32 $0xF7A, s1;
	s8 =	simm.s32 @!p0 $0x1BF5;
	p2 =	por !p2, p0  }
0x20: {  	[sflag:s8] =	ssyncset.s32 @!p0 $0xFFFFF086;
	s6 =	sadd.s32 @!p0 s3, s7;
	s7 =	simm.s32 @!p0 $0x108  }
0x21: {  	s3 =	sadd.s32 s3, s9;
	s6 =	sadd.s32 @!p0 $0x88, s6;
	s7 =	simm.s32 @p2 $0x1082  }
0x22: {  	[simem:s7], [sflag:s8] =	dma.local @!p0 [hbm:s6], $0xF7A  }
0x23: {  	s9 =	sor.u32 $0xD0000000, s2;
	s6 =	simm.s32 $0x108;
	_ =	swait.ge @!p0 [sflag:s8], $0x0  }
0x24: {  	s3 =	sadd.s32 $0x88, s3;
	s6 =	simm.s32 @!p1 $0x1082;
	[sflag:s4] =	ssyncset.s32 $0xFFFFF086  }
0x25: {  	[simem:s6], [sflag:s4] =	dma.local [hbm:s3], $0xF7A  }
0x26: {  	[smem:$0x3F8E] =	sst s1;
	(tag) =	ssettag s2;
	_ =	strace s9  }
0x27: {  	s1 =	sld [smem:$0x3F9E]  }
0x28: {  	s2 =	sld [smem:$0x3F9F]  }
0x29: {  	s4 =	sld [smem:$0x3FA1]  }
0x2a: {  	p0 =	seq.s32 s5, $0x0;
	s5 =	sld [smem:$0x3FA2]  }
0x2b: {  	s6 =	sld [smem:$0x3FA3]  }
0x2c: {  	s7 =	sld [smem:$0x3FA4]  }
0x2d: {  	s3 =	simm.s32 $0x108;
	s8 =	sld [smem:$0x3FA5]  }
0x2e: {  	s3 =	simm.s32 @!p0 $0x1082;
	s9 =	sld [smem:$0x3FA6]  }
0x2f: {  	lr =	sadd.s32 s0, s3;
	s0 =	sld [smem:$0x3F9D]  }
0x30: {  	s3 =	sld [smem:$0x3FA0]  }
0x31: {  	[smem:$0x3FA9] =	sst s10  }
0x32: {  	s10 =	sld [smem:$0x3FA7];
	_ =	sdelay $0x3  }
0x33: {  	p0 =	seq.s32 s10, $0x1;
	s10 =	sld [smem:$0x3FA9];
	_ =	sdelay $0x3  }
0x34: {  	[smem:$0x3FA9] =	sst s10  }
0x35: {  	s10 =	sld [smem:$0x3FA8];
	_ =	sdelay $0x3  }
0x36: {  	p1 =	seq.s32 s10, $0x1;
	s10 =	sld [smem:$0x3FA9];
	_ =	sdelay $0x3  }
0x37: {  	[smem:$0x3FA9] =	sst s10  }
0x38: {  	s10 =	sld [smem:$0x3FAA]  }
0x39: {  	_ = 	snop;
	(pc) =	sbr.ind lr, $3  }
0x3a: {  	_ = 	snop  }
0x3b: {  	_ = 	snop  }
0x3c: {  	p2 =	seq.s32 s10, $0x1;
	s10 =	sld [smem:$0x3FA9]  }
0x3d: {  	_ =	shalt  }
0x3e: {  	_ =	shalt  }
0x3f: {  	_ =	shalt  }
0x40: {  	_ =	shalt  }
0x41: {  	_ =	shalt  }
0x42: {  	_ =	shalt  }
0x43: {  	_ =	shalt  }
0x44: {  	_ =	shalt  }
0x45: {  	_ =	shalt  }
0x46: {  	_ =	shalt  }
0x47: {  	_ =	shalt  }
0x48: {  	_ =	shalt  }
0x49: {  	_ =	shalt  }
0x4a: {  	_ =	shalt  }
0x4b: {  	_ =	shalt  }
0x4c: {  	_ =	shalt  }
0x4d: {  	_ =	shalt  }
0x4e: {  	_ =	shalt  }
0x4f: {  	_ =	shalt  }
0x50: {  	_ =	shalt  }
0x51: {  	_ =	shalt  }
0x52: {  	_ =	shalt  }
0x53: {  	_ =	shalt  }
0x54: {  	_ =	shalt  }
0x55: {  	_ =	shalt  }
0x56: {  	_ =	shalt  }
0x57: {  	_ =	shalt  }
0x58: {  	_ =	shalt  }
0x59: {  	_ =	shalt  }
0x5a: {  	_ =	shalt  }
0x5b: {  	_ =	shalt  }
0x5c: {  	_ =	shalt  }
0x5d: {  	_ =	shalt  }
0x5e: {  	_ =	shalt  }
0x5f: {  	_ =	shalt  }
0x60: {  	_ =	shalt  }
0x61: {  	_ =	shalt  }
0x62: {  	_ =	shalt  }
0x63: {  	_ =	shalt  }
0x64: {  	_ =	shalt  }
0x65: {  	_ =	shalt  }
0x66: {  	_ =	shalt  }
0x67: {  	_ =	shalt  }
0x68: {  	_ =	shalt  }
0x69: {  	_ =	shalt  }
0x6a: {  	_ =	shalt  }
0x6b: {  	_ =	shalt  }
0x6c: {  	_ =	shalt  }
0x6d: {  	_ =	shalt  }
0x6e: {  	_ =	shalt  }
0x6f: {  	_ =	shalt  }
0x70: {  	_ =	shalt  }
0x71: {  	_ =	shalt  }
0x72: {  	_ =	shalt  }
0x73: {  	_ =	shalt  }
0x74: {  	_ =	shalt  }
0x75: {  	_ =	shalt  }
0x76: {  	_ =	shalt  }
0x77: {  	_ =	shalt  }
0x78: {  	_ =	shalt  }
0x79: {  	_ =	shalt  }
0x7a: {  	_ =	shalt  }
0x7b: {  	_ =	shalt  }
0x7c: {  	_ =	shalt  }
0x7d: {  	_ =	shalt  }
0x7e: {  	_ =	shalt  }
0x7f: {  	_ =	shalt  }
0x80: {  	_ =	shalt  }
0x81: {  	_ =	shalt  }
0x82: {  	_ =	shalt  }
0x83: {  	_ =	shalt  }
0x84: {  	_ =	shalt  }
0x85: {  	_ =	shalt  }
0x86: {  	_ =	shalt  }
0x87: {  	_ =	shalt  }
.Lfunc_end0:
.L_simem_size_0:
called_computation_lowered:
.L_overlay_start_0:
0x88: {  	s2 =	sld [smem:$0x3FD9]  }
0x89: {  	s3 =	sld [smem:$0x3FFE];
	_ =	sdelay $0x1  }
0x8a: {  	s1 =	srdreg.scid  }
0x8b: {  	s0 =	sand.u32 $0x1, s1  }
0x8c: {  	s17 =	sshll.u32 s0, $0xA;
	s2 =	sadd.s32 s3, s2  }
0x8d: {  	s2 =	sadd.s32 s2, s17  }
0x8e: {  	[smem:$0x3FB5] =	sst s2  }
0x8f: {  	_ = 	snop  }
0x90: {  	s18 =	sld [smem:$0x3FD0];
	(tm) =	ssettm $0x1  }
0x91: {  	s19 =	sld [smem:$0x3FFB];
	_ =	sdelay $0x3  }
0x92: {  	_ =	strace s19  }
0x93: {  	s2 =	sld [smem:$0x3FFC];
	_ =	sdelay $0x3  }
0x94: {  	_ =	strace s2  }
0x95: {  	s2 =	sld [smem:$0x3FFD];
	_ =	sdelay $0x3  }
0x96: {  	_ =	strace s2  }
0x97: {  	_ =	strace $0x8FFFFFFF  }
0x98: {  	s20 =	sld [smem:$0x3FDB];
	_ =	sdelay $0x1  }
0x99: {  	s4 =	simm.s32 $_scs_section_size  }
0x9a: {  	s5 =	simm.s32 $_size__tile_overlayer_lowered;
	s6 =	simm.s32 $_tile_overlayer_lowered  }
0x9b: {  	s7 =	simm.s32 $0x1BFF;
	s21 =	sshll.u32 s6, $0x1;
	s4 =	sadd.s32 s4, s20  }
0x9c: {  	s22 =	simm.s32 $0x0;
	s5 =	sshll.u32 s5, $0x1;
	s6 =	sadd.s32 s21, s4  }
0x9d: {  	[timem:s22], [sflag:s7] =	dma.local [hbm:s6], s5  }
0x9e: {  	_ =	swait.ge [sflag:s7], s5  }
0x9f: {  	s5 =	ssub.s32 $0x0, s5;
	[sflag:s7] =	ssyncset.done $0x0  }
0xa0: {  	[sflag:s7] =	ssyncadd.s32 s5;
	_ =	sdelay $0x1  }
0xa1: {  	s23 =	simm.s32 $0x1B8B  }
0xa2: {  	_ =	swait.ge [sflag:s23], $0x1  }
0xa3: {  	[sflag:s23] =	ssyncset.done $0x0  }
0xa4: {  	[sflag:s23] =	ssyncadd.s32 $0xFFFFFFFF  }
0xa5: {  	s5 =	sld [smem:$0x0]  }
0xa6: {  	s6 =	sand.u32 $0xFFFFFFFE, s1  }
0xa7: {  	p0 =	sne.s32 s1, s6  }
0xa8: {  	s6 =	sshll.u32 @p0 s6, $0xE  }
0xa9: {  	s6 =	sadd.s32 @p0 $0x11B8D, s6;
	s7 =	sshll.u32 @p0 s5, $0x11  }
0xaa: {  	s6 =	sor.u32 @p0 s7, s6  }
0xab: {  	[sflag:s6] =	ssyncadd.remote.s32 @p0 $0x1;
	_ =	sdelay $0x1  }
0xac: {  	s6 =	simm.s32 @p0 $0x1B8D  }
0xad: {  	_ =	swait.eq @p0 [sflag:s6], $0x1  }
0xae: {  	[sflag:s6] =	ssyncadd.s32 @p0 $0xFFFFFFFF  }
0xaf: {  	s7 =	sshll.u32 @!p0 s1, $0xE  }
0xb0: {  	s7 =	sor.u32 @!p0 $0x4000, s7;
	s6 =	simm.s32 @!p0 $0x1B8D  }
0xb1: {  	s5 =	sshll.u32 @!p0 s5, $0x11;
	s7 =	sadd.s32 @!p0 $0x11B8D, s7;
	_ =	swait.eq @!p0 [sflag:s6], $0x1  }
0xb2: {  	s5 =	sor.u32 @!p0 s5, s7;
	[sflag:s6] =	ssyncadd.s32 @!p0 $0xFFFFFFFF  }
0xb3: {  	s25 =	simm.s32 $0x1B8E;
	s24 =	sld [smem:$0x3FFE];
	[sflag:s5] =	ssyncadd.remote.s32 @!p0 $0x1  }
0xb4: {  	s26 =	simm.s32 $execute0_lowered;
	[smem:$0x3FD2] =	sst s25  }
0xb5: {  	s6 =	sshll.u32 s26, $0x1;
	_ =	strace $0x80000049;
	[dreg:$0x1] =	wrdreg $0xFFFFFFFF  }
0xb6: {  	s28 =	simm.s32 $_size_execute0_lowered;
	s4 =	sadd.s32 s4, s6;
	[dreg:$0x0] =	wrdreg $0x0  }
0xb7: {  	s6 =	sshll.u32 s28, $0x1;
	[dreg:$0x2] =	wrdreg s4  }
0xb8: {  	[dreg:$0x3] =	wrdreg s6  }
0xb9: {  	[dreg:$0x4] =	wrdreg $0xC0  }
0xba: {  	_ =	task [dreg:s22], $0x5FFFF  }
0xbb: {  	[dreg:$0x1] =	wrdreg $0xFFFFFFFF  }
0xbc: {  	[dreg:$0x0] =	wrdreg $0x60  }
0xbd: {  	[dreg:$0x2] =	wrdreg s18  }
0xbe: {  	[dreg:$0x3] =	wrdreg s24  }
0xbf: {  	[dreg:$0x4] =	wrdreg $0x9  }
0xc0: {  	_ =	task.clear_ibuf [dreg:s22], $0x5FFFF;
	_ =	strace $0x90000049  }
0xc1: {  	s29 =	simm.s32 $0x9;
	_ =	strace $0x8000004B  }
0xc2: {  	_ =	swait.ge [sflag:s29], $0x1  }
0xc3: {  	[sflag:s29] =	ssyncadd.s32 $0xFFFFFFFF  }
0xc4: {  	_ =	strace $0x9000004B  }
0xc5: {  	_ =	sfence  }
0xc6: {  	s30 =	sld [smem:$0x0];
	_ =	sdelay $0x2  }
0xc7: {  	s31 =	sshll.u32 s1, $0xD;
	s1 =	sshrl.u32 s1, $0x2  }
0xc8: {  	s4 =	sand.u32 $0x4000, s31;
	s1 =	sadd.s32 s1, s30  }
0xc9: {  	s0 =	sor.u32 s4, s0;
	s1 =	sshll.u32 s1, $0x11  }
0xca: {  	s0 =	sor.u32 s1, s0  }
0xcb: {  	s0 =	sadd.s32 $0x8F2B, s0  }
0xcc: {  	[sflag:s0] =	ssyncadd.remote.s32 $0x1  }
0xcd: {  	_ =	sfence.sel $0xFFFF  }
0xce: {  	[dreg:$0x0] =	wrdreg $0xFFFFFFFF;
	(pc) =	sbr.abs _section_cstart, $3  }
0xcf: {  	[dreg:$0x1] =	wrdreg $0xFFFFFFFF  }
0xd0: {  	_ =	task.clear_ibuf [dreg:s22], $0x2FFFF;
	_ =	strace $0x9FFFFFFF  }
0xd1: {  	(tm) =	ssettm $0x7FFFFFFF  }
tec
execute0_lowered:
.L_overlay_start_1:
0x0: {  	(tag) =	ssettag $0x1  }
0x1: {  	s1 =	srdreg.scid;
	s2 =	rddreg [dreg:$0x0]  }
0x2: {  	s0 =	stileid.u32;
	s5 =	rddreg [dreg:$0x1];
	s3 =	simm.s32 $0x0  }
0x3: {  	s4 =	sand.u32 $0x1, s1;
	s28 =	sshll.u32 s0, $0x1;
	s1 =	rddreg [dreg:$0x2]  }
0x4: {  	[smem:$0x7FF] =	sst s3;
	s8 =	sadd.s32 $0x129000, s5;
	s9 =	smul.u32 $0x90000, s0  }
0x5: {  	s11 =	sshll.u32 s0, $0x7;
	s6 =	sor.u32 s4, s28;
	s12 =	smul.u32 $0x48000, s4  }
0x6: {  	_ =	strace $0x8000004A;
	s29 =	ssub.s32 $0x2, s4;
	s7 =	smul.u32 $0x180, s6  }
0x7: {  	s30 =	sand.u32 $0x400, s11;
	s11 =	simm.s32 $0x4C00;
	s6 =	smul.u32 $0x48000, s6  }
0x8: {  	s10 =	sshrl.u32 s29, $0x1;
	s31 =	sadd.s32 s12, s9;
	s9 =	simm.s32 $0xC00  }
0x9: {  	s12 =	simm.s32 $0x0;
	s7 =	sadd.s32 s7, s5;
	s5 =	ssub.s32 s29, s10  }
0xa: {  	s6 =	sshrl.u32 s6, $0x3;
	s10 =	simm.s32 $0x2;
	s4 =	sadd.s32 $0x126000, s7  }
0xb: {  	s6 =	sadd.s32 s8, s6;
	s5 =	smax.u32 s5, $0x1;
	s7 =	sshrl.u32 s31, $0x3  }
0xc: {  	v0 =	vmov s30;
	s6 =	sadd.s32 $0x8800, s6;
	s7 =	sadd.s32 s7, s8;
	s8 =	simm.s32 $0x3  }
.LBB2_1:
0xd: {  	[tilespmem:s3], [sflag:$0x3] =	stream.linear.gather [hbm4b:s4+s3], $0x900, $0x38;
	[tilespmem:$0x8C00] =	vst v63  }
0xe: {  	_ =	swait.ge [sflag:s8], $0x900  }
0xf: {  	[sflag:s8] =	ssyncset.done $0x0  }
0x10: {  	s13 =	simm.s32 $0x70;
	[sflag:s8] =	ssyncadd.s32 $0xFFFFF700  }
0x11: {  	v3 =	vld [tilespmem:s13+$0xFFFFFF90]  }
0x12: {  	v5 =	vld [tilespmem:s13+$0xFFFFFFA0]  }
0x13: {  	v4 =	vld [tilespmem:s13+$0xFFFFFFB0]  }
0x14: {  	v2 =	vld [tilespmem:s13+$0xFFFFFFC0]  }
0x15: {  	v1 =	vld [tilespmem:s13+$0xFFFFFFD0]  }
0x16: {  	s14 =	simm.s32 $0x3C0;
	v6 =	vadd.s32 v0, v3;
	v3 =	vld [tilespmem:s13+$0xFFFFFFE0]  }
.LBB2_2:
0x17: {  	p0 =	sne.s32 s14, $0x23C0;
	[tilespmem:s13+$0xFFFFFF90] =	vst v6;
	v5 =	vadd.s32 v0, v5;
	v6 =	vld [tilespmem:s13+$0x0]  }
0x18: {  	s15 =	sshra.s32 s14, $0x2;
	[tilespmem:s13+$0xFFFFFFA0] =	vst v5;
	v4 =	vadd.s32 v0, v4;
	v7 =	vld [tilespmem:s13+$0xFFFFFFF0]  }
0x19: {  	v8 =	vld [tilespmem:s15+$0xFFFFFF90];
	[tilespmem:s13+$0xFFFFFFB0] =	vst v4;
	v2 =	vadd.s32 v0, v2  }
.Ltmp0:
0x1a: {  	v5 =	vld [tilespmem:s15+$0xFFFFFFA0];
	[tilespmem:s13+$0xFFFFFFC0] =	vst v2;
	v1 =	vadd.s32 v0, v1;
	(pc) =	sbr.rel @p0 .LBB2_2-.Ltmp0, $4  }
0x1b: {  	v4 =	vld [tilespmem:s15+$0xFFFFFFB0];
	[tilespmem:s13+$0xFFFFFFD0] =	vst v1;
	v1 =	vadd.s32 v0, v3  }
0x1c: {  	v2 =	vld [tilespmem:s15+$0xFFFFFFC0];
	[tilespmem:s13+$0xFFFFFFE0] =	vst v1;
	v3 =	vadd.s32 v0, v6  }
0x1d: {  	v1 =	vld [tilespmem:s15+$0xFFFFFFD0];
	v7 =	vadd.s32 v0, v7;
	[tilespmem:s13+$0x0] =	vst v3  }
0x1e: {  	s14 =	sadd.s32 $0x200, s14;
	v6 =	vadd.s32 v0, v8;
	v3 =	vld [tilespmem:s15+$0xFFFFFFE0];
	[tilespmem:s13+$0xFFFFFFF0] =	vst v7;
	s13 =	smov.u32 s15  }
0x1f: {  	[tilespmem:s13+$0xFFFFFF90] =	vst v6;
	v5 =	vadd.s32 v0, v5;
	v62 =	vld [tilespmem:s13+$0x0]  }
0x20: {  	v63 =	vld [tilespmem:s13+$0xFFFFFFF0];
	[tilespmem:s13+$0xFFFFFFA0] =	vst v5;
	v4 =	vadd.s32 v0, v4  }
0x21: {  	[tilespmem:s13+$0xFFFFFFB0] =	vst v4;
	v2 =	vadd.s32 v0, v2  }
0x22: {  	[tilespmem:s13+$0xFFFFFFC0] =	vst v2;
	v1 =	vadd.s32 v0, v1  }
0x23: {  	[tilespmem:s13+$0xFFFFFFD0] =	vst v1;
	v1 =	vadd.s32 v0, v3  }
0x24: {  	[tilespmem:s13+$0xFFFFFFE0] =	vst v1;
	v1 =	vadd.s32 v0, v62  }
0x25: {  	v2 =	vadd.s32 v0, v63;
	[tilespmem:s13+$0x0] =	vst v1  }
0x26: {  	s14 =	simm.s32 $0x0;
	[tilespmem:s13+$0xFFFFFFF0] =	vst v2;
	s13 =	simm.s32 $0x80  }
0x27: {  	[tilespmem:s9], [sflag:$0x1] =	stream.indirect.gather [hbm4b:s2+s13], $0x80, s14, s13, $0xb8;
	[tilespmem:$0x8C00] =	vst v63  }
0x28: {  	s14 =	sand.u32 $0x1, s14  }
0x29: {  	p0 =	seq.s32 s14, $0x1  }
0x2a: {  	p1 =	seq.s32 s14, $0x0;
	s15 =	simm.s32 @!p0 $0x80;
	s16 =	simm.s32 @!p0 $0x4C00  }
0x2b: {  	[tilespmem:s16], [sflag:$0x2] =	stream.indirect.gather @!p0 [hbm4b:s2+s15], $0x80, s13, s15, $0xb8;
	[tilespmem:$0x8C00] =	vst v63  }
0x2c: {  	p2 =	sne.s32 s14, $0x0;
	s15 =	simm.s32 @!p1 $0x80;
	s16 =	simm.s32 @!p1 $0xC00  }
0x2d: {  	[tilespmem:s16], [sflag:$0x1] =	stream.indirect.gather @!p1 [hbm4b:s2+s15], $0x80, s13, s15, $0xb8;
	[tilespmem:$0x8C00] =	vst v63  }
0x2e: {  	s13 =	simm.s32 @!p2 $0x1  }
0x2f: {  	_ =	swait.ge @!p2 [sflag:s13], $0x4000  }
0x30: {  	s14 =	simm.s32 @!p2 $0x0;
	[sflag:s13] =	ssyncset.done @!p2 $0x0  }
0x31: {  	s15 =	simm.s32 @!p2 $0xC00;
	[sflag:s13] =	ssyncadd.s32 @!p2 $0xFFFFC000;
	s13 =	simm.s32 @!p2 $0x4  }
0x32: {  	[hbm4b:s7+s14] =	stream.linear.scatter @!p2 [tilespmem:s15], [sflag:$0x4], $0x4000, $0x38;
	[tilespmem:$0x8C00] =	vst v63  }
0x33: {  	_ =	swait.ge @!p2 [sflag:s13], $0x4000  }
0x34: {  	p0 =	por p0, p0;
	[sflag:s13] =	ssyncset.done @!p2 $0x0  }
0x35: {  	s14 =	simm.s32 @p0 $0x2;
	[sflag:s13] =	ssyncadd.s32 @!p2 $0xFFFFC000  }
0x36: {  	s31 =	simm.s32 $0x1;
	s17 =	simm.s32 @p0 $0x3;
	_ =	swait.ge @p0 [sflag:s14], $0x4000  }
0x37: {  	s16 =	simm.s32 @p0 $0x4C00;
	s15 =	simm.s32 @p0 $0x0;
	[sflag:s14] =	ssyncset.done @p0 $0x0  }
0x38: {  	s13 =	sadd.s32 $0x800, s7;
	[sflag:s14] =	ssyncadd.s32 @p0 $0xFFFFC000;
	s14 =	simm.s32 $0x100  }
0x39: {  	[hbm4b:s7+s15] =	stream.linear.scatter @p0 [tilespmem:s16], [sflag:$0x3], $0x4000, $0x38;
	[tilespmem:$0x8C00] =	vst v63  }
0x3a: {  	s15 =	simm.s32 $0x2;
	s16 =	sand.u32 $0x1, s31;
	_ =	swait.ge @p0 [sflag:s17], $0x4000  }
.LBB2_4:
0x3b: {  	p3 =	seq.s32 s16, $0x1;
	p1 =	seq.s32 s16, $0x0;
	[sflag:s17] =	ssyncset.done @p0 $0x0  }
0x3c: {  	s18 =	simm.s32 @!p3 $0x80;
	s19 =	simm.s32 @!p3 $0x4C00;
	[sflag:s17] =	ssyncadd.s32 @p0 $0xFFFFC000  }
0x3d: {  	[tilespmem:s19], [sflag:$0x2] =	stream.indirect.gather @!p3 [hbm4b:s2+s18], $0x80, s14, s18, $0xb8;
	[tilespmem:$0x8C00] =	vst v63  }
0x3e: {  	p2 =	sne.s32 s16, $0x0;
	s17 =	simm.s32 @!p1 $0x80;
	s18 =	simm.s32 @!p1 $0xC00  }
0x3f: {  	[tilespmem:s18], [sflag:$0x1] =	stream.indirect.gather @!p1 [hbm4b:s2+s17], $0x80, s14, s17, $0xb8;
	[tilespmem:$0x8C00] =	vst v63  }
0x40: {  	s16 =	simm.s32 @!p2 $0x1;
	s18 =	smov.u32 s15;
	s15 =	sadd.s32 $0x1, s15  }
0x41: {  	p0 =	por p3, p3;
	p1 =	sne.s32 s15, $0x11;
	_ =	swait.ge @!p2 [sflag:s16], $0x4000  }
0x42: {  	s19 =	simm.s32 @!p2 $0xC00;
	s17 =	simm.s32 @!p2 $0x0;
	[sflag:s16] =	ssyncset.done @!p2 $0x0  }
0x43: {  	[sflag:s16] =	ssyncadd.s32 @!p2 $0xFFFFC000;
	s16 =	simm.s32 @!p2 $0x4  }
0x44: {  	[hbm4b:s13+s17] =	stream.linear.scatter @!p2 [tilespmem:s19], [sflag:$0x4], $0x4000, $0x38;
	[tilespmem:$0x8C00] =	vst v63  }
0x45: {  	_ =	swait.ge @!p2 [sflag:s16], $0x4000  }
0x46: {  	s17 =	simm.s32 @p0 $0x2;
	[sflag:s16] =	ssyncset.done @!p2 $0x0  }
0x47: {  	[sflag:s16] =	ssyncadd.s32 @!p2 $0xFFFFC000  }
.Ltmp1:
0x48: {  	_ =	swait.ge @p0 [sflag:s17], $0x4000;
	(pc) =	sbr.rel @p1 .LBB2_4-.Ltmp1, $4  }
0x49: {  	s19 =	simm.s32 @p0 $0x4C00;
	s16 =	simm.s32 @p0 $0x0;
	[sflag:s17] =	ssyncset.done @p0 $0x0  }
0x4a: {  	s14 =	sadd.s32 $0x80, s14;
	[sflag:s17] =	ssyncadd.s32 @p0 $0xFFFFC000;
	s17 =	simm.s32 @p0 $0x3  }
0x4b: {  	[hbm4b:s13+s16] =	stream.linear.scatter @p0 [tilespmem:s19], [sflag:$0x3], $0x4000, $0x38;
	[tilespmem:$0x8C00] =	vst v63  }
0x4c: {  	s16 =	sand.u32 $0x1, s18;
	s13 =	sadd.s32 $0x800, s13;
	_ =	swait.ge @p0 [sflag:s17], $0x4000  }
0x4d: {  	p1 =	seq.s32 s16, $0x1;
	p2 =	seq.s32 s16, $0x0;
	[sflag:s17] =	ssyncset.done @p0 $0x0  }
0x4e: {  	s15 =	simm.s32 @!p1 $0x80;
	s18 =	simm.s32 @!p1 $0x4C00;
	[sflag:s17] =	ssyncadd.s32 @p0 $0xFFFFC000  }
0x4f: {  	[tilespmem:s18], [sflag:$0x2] =	stream.indirect.gather @!p1 [hbm4b:s2+s15], $0x80, s14, s15, $0xb8;
	[tilespmem:$0x8C00] =	vst v63  }
0x50: {  	s17 =	simm.s32 @!p2 $0xC00;
	p0 =	sne.s32 s16, $0x0;
	s15 =	simm.s32 @!p2 $0x80  }
0x51: {  	[tilespmem:s17], [sflag:$0x1] =	stream.indirect.gather @!p2 [hbm4b:s2+s15], $0x80, s14, s15, $0xb8;
	[tilespmem:$0x8C00] =	vst v63  }
0x52: {  	s14 =	simm.s32 @!p0 $0x1  }
0x53: {  	_ =	swait.ge @!p0 [sflag:s14], $0x4000  }
0x54: {  	s16 =	simm.s32 @!p0 $0xC00;
	[sflag:s14] =	ssyncset.done @!p0 $0x0  }
0x55: {  	s15 =	simm.s32 @!p0 $0x0;
	[sflag:s14] =	ssyncadd.s32 @!p0 $0xFFFFC000;
	s14 =	simm.s32 @!p0 $0x4  }
0x56: {  	[hbm4b:s13+s15] =	stream.linear.scatter @!p0 [tilespmem:s16], [sflag:$0x4], $0x4000, $0x38;
	[tilespmem:$0x8C00] =	vst v63  }
0x57: {  	_ =	swait.ge @!p0 [sflag:s14], $0x4000  }
0x58: {  	p1 =	por p1, p1;
	[sflag:s14] =	ssyncset.done @!p0 $0x0  }
0x59: {  	s15 =	simm.s32 @p1 $0x2;
	[sflag:s14] =	ssyncadd.s32 @!p0 $0xFFFFC000  }
0x5a: {  	_ =	swait.ge @p1 [sflag:s15], $0x4000  }
0x5b: {  	s16 =	simm.s32 @p1 $0x4C00;
	[sflag:s15] =	ssyncset.done @p1 $0x0  }
0x5c: {  	s14 =	simm.s32 @p1 $0x0;
	[sflag:s15] =	ssyncadd.s32 @p1 $0xFFFFC000;
	s15 =	simm.s32 @p1 $0x3  }
0x5d: {  	[hbm4b:s13+s14] =	stream.linear.scatter @p1 [tilespmem:s16], [sflag:$0x3], $0x4000, $0x38;
	[tilespmem:$0x8C00] =	vst v63  }
0x5e: {  	_ =	swait.ge @p1 [sflag:s15], $0x4000  }
0x5f: {  	[sflag:s15] =	ssyncset.done @p1 $0x0  }
0x60: {  	[sflag:s15] =	ssyncadd.s32 @p1 $0xFFFFC000  }
0x61: {  	s12 =	sadd.s32 $0x1, s12;
	_ =	swait.ge [sflag:s10], $0x4000  }
0x62: {  	p0 =	sne.s32 s12, s5;
	[sflag:s10] =	ssyncset.done $0x0  }
.Ltmp2:
0x63: {  	[sflag:s10] =	ssyncadd.s32 $0xFFFFC000;
	(pc) =	sbr.rel @p0 .LBB2_1-.Ltmp2, $4  }
0x64: {  	[hbm4b:s6+s3] =	stream.linear.scatter [tilespmem:s11], [sflag:$0x3], $0x4000, $0x38;
	[tilespmem:$0x8C00] =	vst v63  }
0x65: {  	_ =	swait.ge [sflag:s8], $0x4000  }
0x66: {  	[sflag:s8] =	ssyncset.done $0x0  }
0x67: {  	[sflag:s8] =	ssyncadd.s32 $0xFFFFC000  }
0x68: {  	_ =	sfence.sel $0x180000  }
0x69: {  	[bflag:$0x0] =	sbarrier.arrive $0xFFFF  }
0x6a: {  	p0 =	sne.s32 s0, $0x0;
	_ =	strace $0x9000004A  }
0x6b: {  	s0 =	sadd.s32 @!p0 $0x100000, s1;
	[bflag:$0x2] =	sbarrier.arrive $0xFFFF  }
0x6c: {  	[sflag:s0] =	ssyncadd.tile.s32 @!p0 $0x1;
	_ =	shalt  }
.Lfunc_end2:
_tile_overlayer_lowered:
.L_overlay_start_2:
0x6d: {  	(tag) =	ssettag $0x2  }
0x6e: {  	s0 =	rddreg [dreg:$0x0];
	s2 =	stileid.u32  }
0x6f: {  	s1 =	rddreg [dreg:$0x1];
	p0 =	sne.s32 s2, $0x0  }
0x70: {  	s3 =	rddreg [dreg:$0x2];
	[bflag:$0x3] =	sbarrier.arrive $0xFFFF;
	s2 =	simm.s32 @!p0 $0x1C03  }
0x71: {  	[timem:s3], [sflag:s2] =	dma.local @!p0 [hbm:s0], s1  }
0x72: {  	s0 =	simm.s32 @!p0 $0x3  }
0x73: {  	_ =	swait.ge @!p0 [sflag:s0], s1  }
0x74: {  	s1 =	ssub.s32 @!p0 $0x0, s1;
	[sflag:s0] =	ssyncset.done @!p0 $0x0  }
0x75: {  	[sflag:s0] =	ssyncadd.s32 @!p0 s1  }
0x76: {  	[bflag:$0x3] =	sbarrier.arrive $0xFFFF  }
0x77: {  	_ =	shalt  }

</sc_bundles>
